<compile_context>
chip_gen: v7x
topology: tpu7x:2x2x1
jax: 0.10.2.dev20260603
libtpu: 0.0.44.dev20260713+nightly
codegen_flags: <defaults>
</compile_context>

<pallas_src>
import dataclasses
import functools

import jax
import jax.numpy as jnp
from jax import lax
from jax.experimental import pallas as pl
from jax.experimental.pallas import tpu as pltpu
from jax.experimental.pallas import tpu_sc as plsc

B = 16384
D = 128
T_ROWS = 352
NC = 2
NS = 16
NW = NC * NS
BPW = B // NW
HI = lax.Precision.HIGHEST
F32 = jnp.float32
BF16 = jnp.bfloat16


def _prep_body(xt_ref, aug_ref, mag_ref, cls_ref, w0_ref, t_ref, idx_ref):
    pa = jnp.dot(aug_ref[...], w0_ref[0:128, :], precision=HI)
    pm = jnp.dot(mag_ref[...], w0_ref[128:256, :], precision=HI)
    pc = jnp.dot(cls_ref[...], w0_ref[256:384, :], precision=HI)
    ra = lax.broadcasted_iota(jnp.int32, (250, 25), 0) // 10
    ca = lax.broadcasted_iota(jnp.int32, (250, 25), 1)
    ea = (ra == ca).astype(F32)
    rm = lax.broadcasted_iota(jnp.int32, (250, 10), 0) % 10
    cm = lax.broadcasted_iota(jnp.int32, (250, 10), 1)
    em = (rm == cm).astype(F32)
    pair = 0.5 * (jnp.dot(ea, pa, precision=HI) + jnp.dot(em, pm, precision=HI))
    t_ref[...] = jnp.concatenate([pair, pc, jnp.zeros((2, D), F32)], axis=0)
    x0 = xt_ref[0:1, :]
    x1 = xt_ref[1:2, :]
    x2 = xt_ref[2:3, :]
    x3 = xt_ref[3:4, :]
    x4 = xt_ref[4:5, :]
    ia = 10 * jnp.clip(x0, 0, 24) + jnp.clip(x1, 0, 9)
    ib = 10 * jnp.clip(x2, 0, 24) + jnp.clip(x3, 0, 9)
    ic = 250 + jnp.clip(x4, 0, 99)
    idx_ref[...] = jnp.concatenate(
        [ia, ib, ic, jnp.zeros((5, B), jnp.int32)], axis=0)


CHUNK = 128
HALF = B // 2
BPW_H = HALF // NW
NCHUNK = BPW_H // CHUNK


def _sc_gather_sum(half, t_hbm, idx_hbm, out_hbm,
                   t_sh, ia_v, ib_v, ic_v,
                   ga0, gb0, gc0, ga1, gb1, gc1,
                   sa0, sb0, sc0, sa1, sb1, sc1, so0, so1):
    cid = lax.axis_index("c")
    sid = lax.axis_index("s")
    wid = cid * NS + sid
    base = half * HALF + wid * BPW_H
    bufs = ((ga0, gb0, gc0, sa0, sb0, sc0, so0),
            (ga1, gb1, gc1, sa1, sb1, sc1, so1))

    @pl.when(sid == 0)
    def _():
        pltpu.sync_copy(t_hbm, t_sh)

    da = pltpu.async_copy(idx_hbm.at[0, pl.ds(base, BPW_H)], ia_v, sa0)
    db = pltpu.async_copy(idx_hbm.at[1, pl.ds(base, BPW_H)], ib_v, sb0)
    dc = pltpu.async_copy(idx_hbm.at[2, pl.ds(base, BPW_H)], ic_v, sc0)
    da.wait()
    db.wait()
    dc.wait()
    plsc.subcore_barrier()

    def issue_gathers(c):
        ga, gb, gc, sa, sb, sc, _ = bufs[c % 2]
        off = c * CHUNK
        return (pltpu.async_copy(t_sh.at[ia_v.at[pl.ds(off, CHUNK)]], ga, sa),
                pltpu.async_copy(t_sh.at[ib_v.at[pl.ds(off, CHUNK)]], gb, sb),
                pltpu.async_copy(t_sh.at[ic_v.at[pl.ds(off, CHUNK)]], gc, sc))

    pend_g = issue_gathers(0)
    pend_out = [None, None]
    for c in range(NCHUNK):
        ga, gb, gc, _, _, _, so = bufs[c % 2]
        for d in pend_g:
            d.wait()
        if c + 1 < NCHUNK:
            prev_out = pend_out[(c + 1) % 2]
            if prev_out is not None:
                prev_out.wait()
            pend_g = issue_gathers(c + 1)

        @pl.loop(0, CHUNK)
        def _(r):
            for g8 in range(8):
                slc = (r, pl.ds(g8 * 16, 16))
                ga.at[slc][...] = (
                    ga.at[slc][...] + gb.at[slc][...] + gc.at[slc][...])

        pend_out[c % 2] = pltpu.async_copy(
            ga, out_hbm.at[pl.ds(wid * BPW_H + c * CHUNK, CHUNK)], so)
    for d in pend_out:
        if d is not None:
            d.wait()


def _mm3(a, b_hi, b_lo):
    a_hi = a.astype(BF16)
    a_lo = (a - a_hi.astype(F32)).astype(BF16)
    return (jnp.dot(a_hi, b_hi, preferred_element_type=F32)
            + (jnp.dot(a_hi, b_lo, preferred_element_type=F32)
               + jnp.dot(a_lo, b_hi, preferred_element_type=F32)))


def _mlp_body(pre_ref, b0_ref, w1h_ref, w1l_ref, b1_ref, w2h_ref, w2l_ref,
              b2_ref, wouth_ref, woutl_ref, bout_ref, y_ref):
    h = jnp.maximum(pre_ref[...] + b0_ref[...], 0.0)
    h = jnp.maximum(_mm3(h, w1h_ref[...], w1l_ref[...]) + b1_ref[...], 0.0)
    h = jnp.maximum(_mm3(h, w2h_ref[...], w2l_ref[...]) + b2_ref[...], 0.0)
    y_ref[...] = _mm3(h, wouth_ref[...], woutl_ref[...]) + bout_ref[...]


@jax.jit
def kernel(x, aug_table, mag_table, cls_table, W0, b0, W1, b1, W2, b2, Wout,
           bout):
    xt = x.T.astype(jnp.int32)

    t_tab, idx = pl.pallas_call(
        _prep_body,
        grid=(1,),
        in_specs=[
            pl.BlockSpec((5, B), lambda i: (0, 0)),
            pl.BlockSpec((25, D), lambda i: (0, 0)),
            pl.BlockSpec((10, D), lambda i: (0, 0)),
            pl.BlockSpec((100, D), lambda i: (0, 0)),
            pl.BlockSpec((384, D), lambda i: (0, 0)),
        ],
        out_specs=[
            pl.BlockSpec((T_ROWS, D), lambda i: (0, 0)),
            pl.BlockSpec((8, B), lambda i: (0, 0)),
        ],
        out_shape=[
            jax.ShapeDtypeStruct((T_ROWS, D), F32),
            jax.ShapeDtypeStruct((8, B), jnp.int32),
        ],
    )(xt, aug_table, mag_table, cls_table, W0)

    sc_params = pltpu.CompilerParams()
    if "needs_layout_passes" in pltpu.CompilerParams.__dataclass_fields__:
        sc_params = dataclasses.replace(sc_params, needs_layout_passes=False)
    sc_kernel = functools.partial(
        pl.kernel,
        out_type=jax.ShapeDtypeStruct((HALF, D), F32),
        compiler_params=sc_params,
        mesh=plsc.VectorSubcoreMesh(core_axis_name="c", subcore_axis_name="s"),
        scratch_types=[
            pltpu.VMEM_SHARED((T_ROWS, D), F32),
            pltpu.VMEM((BPW_H,), jnp.int32),
            pltpu.VMEM((BPW_H,), jnp.int32),
            pltpu.VMEM((BPW_H,), jnp.int32),
            pltpu.VMEM((CHUNK, D), F32),
            pltpu.VMEM((CHUNK, D), F32),
            pltpu.VMEM((CHUNK, D), F32),
            pltpu.VMEM((CHUNK, D), F32),
            pltpu.VMEM((CHUNK, D), F32),
            pltpu.VMEM((CHUNK, D), F32),
            pltpu.SemaphoreType.DMA,
            pltpu.SemaphoreType.DMA,
            pltpu.SemaphoreType.DMA,
            pltpu.SemaphoreType.DMA,
            pltpu.SemaphoreType.DMA,
            pltpu.SemaphoreType.DMA,
            pltpu.SemaphoreType.DMA,
            pltpu.SemaphoreType.DMA,
        ],
    )
    pre0 = sc_kernel(functools.partial(_sc_gather_sum, 0))(t_tab, idx)
    pre1 = sc_kernel(functools.partial(_sc_gather_sum, 1))(t_tab, idx)

    def split(w):
        w_hi = w.astype(BF16)
        return w_hi, (w - w_hi.astype(F32)).astype(BF16)

    w1h, w1l = split(W1)
    w2h, w2l = split(W2)
    wouth, woutl = split(Wout)
    def mlp(pre_h):
        return pl.pallas_call(
            _mlp_body,
            grid=(HALF // 2048,),
            in_specs=[
                pl.BlockSpec((2048, D), lambda i: (i, 0)),
                pl.BlockSpec((1, D), lambda i: (0, 0)),
                pl.BlockSpec((D, D), lambda i: (0, 0)),
                pl.BlockSpec((D, D), lambda i: (0, 0)),
                pl.BlockSpec((1, D), lambda i: (0, 0)),
                pl.BlockSpec((D, D), lambda i: (0, 0)),
                pl.BlockSpec((D, D), lambda i: (0, 0)),
                pl.BlockSpec((1, D), lambda i: (0, 0)),
                pl.BlockSpec((D, 1), lambda i: (0, 0)),
                pl.BlockSpec((D, 1), lambda i: (0, 0)),
                pl.BlockSpec((1, 1), lambda i: (0, 0)),
            ],
            out_specs=pl.BlockSpec((2048, 1), lambda i: (i, 0)),
            out_shape=jax.ShapeDtypeStruct((HALF, 1), F32),
        )(pre_h, b0.reshape(1, D), w1h, w1l, b1.reshape(1, D), w2h, w2l,
          b2.reshape(1, D), wouth, woutl, bout.reshape(1, 1))

    return jnp.concatenate([mlp(pre0), mlp(pre1)], axis=0)

# --- scband reference (transcript-rebuilt; emitter-appended) ---
"""Pipeline reference for scband-neural-predictor-embedding-class-model-59459527246301 (READ-ONLY COPY).

The authoritative reference and input builder live on the scoring server;
editing this copy changes nothing except your own understanding.
"""

import jax, jax.numpy as jnp
import numpy as np

B = 16384
EMBED_DIM = 128
HIDDEN = 128
NUM_AUGS = 25
NUM_MAGS = 10
NUM_CLS = 100


def setup_inputs(seed: int = 0) -> dict:
    key = jax.random.key(seed)
    ks = jax.random.split(key, 12)
    x = jax.random.randint(ks[0], (B, 5), 0, 10, dtype=jnp.int64) if jax.config.jax_enable_x64 else jax.random.randint(ks[0], (B, 5), 0, 10, dtype=jnp.int32)
    aug_table = jax.random.normal(ks[1], (NUM_AUGS, EMBED_DIM), dtype=jnp.float32)
    mag_table = jax.random.normal(ks[2], (NUM_MAGS, EMBED_DIM), dtype=jnp.float32)
    cls_table = jax.random.normal(ks[3], (NUM_CLS, EMBED_DIM), dtype=jnp.float32)
    s0 = 1.0 / np.sqrt(EMBED_DIM * 3)
    s1 = 1.0 / np.sqrt(HIDDEN)
    W0 = jax.random.uniform(ks[4], (EMBED_DIM * 3, HIDDEN), minval=-s0, maxval=s0, dtype=jnp.float32)
    b0 = jax.random.uniform(ks[5], (HIDDEN,), minval=-s0, maxval=s0, dtype=jnp.float32)
    W1 = jax.random.uniform(ks[6], (HIDDEN, HIDDEN), minval=-s1, maxval=s1, dtype=jnp.float32)
    b1 = jax.random.uniform(ks[7], (HIDDEN,), minval=-s1, maxval=s1, dtype=jnp.float32)
    W2 = jax.random.uniform(ks[8], (HIDDEN, HIDDEN), minval=-s1, maxval=s1, dtype=jnp.float32)
    b2 = jax.random.uniform(ks[9], (HIDDEN,), minval=-s1, maxval=s1, dtype=jnp.float32)
    Wout = jax.random.uniform(ks[10], (HIDDEN, 1), minval=-s1, maxval=s1, dtype=jnp.float32)
    bout = jax.random.uniform(ks[11], (1,), minval=-s1, maxval=s1, dtype=jnp.float32)
    return {"x": x, "aug_table": aug_table, "mag_table": mag_table, "cls_table": cls_table,
            "W0": W0, "b0": b0, "W1": W1, "b1": b1, "W2": W2, "b2": b2, "Wout": Wout, "bout": bout}


def reference(x, aug_table, mag_table, cls_table, W0, b0, W1, b1, W2, b2, Wout, bout):
    cls_emb = jnp.take(cls_table, x[:, 4], axis=0)
    aug1_emb = jnp.take(aug_table, x[:, 0], axis=0)
    mag1_emb = jnp.take(mag_table, x[:, 1], axis=0)
    aug2_emb = jnp.take(aug_table, x[:, 2], axis=0)
    mag2_emb = jnp.take(mag_table, x[:, 3], axis=0)
    aug1 = jnp.concatenate((aug1_emb, mag1_emb), axis=1)
    aug2 = jnp.concatenate((aug2_emb, mag2_emb), axis=1)
    aug_emb = (aug1 + aug2) / 2.0
    h = jnp.concatenate((aug_emb, cls_emb), axis=1)
    h = jax.nn.relu(h @ W0 + b0)
    h = jax.nn.relu(h @ W1 + b1)
    h = jax.nn.relu(h @ W2 + b2)
    y = h @ Wout + bout
    return y

if __name__ == "__main__":
    import jax
    _d = setup_inputs()
    print(jax.jit(kernel)(*tuple(_d.values())))

</pallas_src>

<mosaic_0001>
#map = affine_map<(d0, d1) -> (0, 0)>
module attributes {stable_mosaic.version = 14 : i64} {
  func.func @_sc_gather_sum(%arg0: i32, %arg1: i32, %arg2: memref<352x128xf32, #tpu.memory_space<hbm>>, %arg3: memref<8x16384xi32, #tpu.memory_space<hbm>>, %arg4: memref<8192x128xf32, #tpu.memory_space<hbm>>, %arg5: memref<352x128xf32, #tpu.memory_space<vmem_shared>>, %arg6: memref<256xi32, #tpu.memory_space<vmem>>, %arg7: memref<256xi32, #tpu.memory_space<vmem>>, %arg8: memref<256xi32, #tpu.memory_space<vmem>>, %arg9: memref<128x128xf32, #tpu.memory_space<vmem>>, %arg10: memref<128x128xf32, #tpu.memory_space<vmem>>, %arg11: memref<128x128xf32, #tpu.memory_space<vmem>>, %arg12: memref<128x128xf32, #tpu.memory_space<vmem>>, %arg13: memref<128x128xf32, #tpu.memory_space<vmem>>, %arg14: memref<128x128xf32, #tpu.memory_space<vmem>>, %arg15: memref<!tpu.dma_semaphore, #tpu.memory_space<semaphore_mem>>, %arg16: memref<!tpu.dma_semaphore, #tpu.memory_space<semaphore_mem>>, %arg17: memref<!tpu.dma_semaphore, #tpu.memory_space<semaphore_mem>>, %arg18: memref<!tpu.dma_semaphore, #tpu.memory_space<semaphore_mem>>, %arg19: memref<!tpu.dma_semaphore, #tpu.memory_space<semaphore_mem>>, %arg20: memref<!tpu.dma_semaphore, #tpu.memory_space<semaphore_mem>>, %arg21: memref<!tpu.dma_semaphore, #tpu.memory_space<semaphore_mem>>, %arg22: memref<!tpu.dma_semaphore, #tpu.memory_space<semaphore_mem>>) attributes {dimension_semantics = [#tpu.dimension_semantics<core_parallel>, #tpu.dimension_semantics<subcore_parallel>], iteration_bounds = array<i64: 2, 16>, scalar_prefetch = 0 : i64, scratch_operands = 18 : i64, tpu.core_type = #tpu.core_type<sc_vector_subcore>, window_params = [{transform_indices = #map}, {transform_indices = #map}, {transform_indices = #map}]} {
    %mul3A = arith.constant 16 : i32
    %mul3A_0 = arith.muli %arg0, %mul3A : i32
    %add3A = arith.addi %mul3A_0, %arg1 : i32
    %mul3A_1 = arith.constant 256 : i32
    %mul3A_2 = arith.muli %add3A, %mul3A_1 : i32
    %add3A_3 = arith.constant 8192 : i32
    %add3A_4 = arith.addi %add3A_3, %mul3A_2 : i32
    %eq3A = arith.constant 0 : i32
    %eq3A_5 = arith.cmpi eq, %arg1, %eq3A : i32
    %convert_element_type3A = arith.extui %eq3A_5 : i1 to i32
    %cond3A = arith.constant 0 : i32
    %cond3A_6 = arith.cmpi ne, %convert_element_type3A, %cond3A : i32
    scf.if %cond3A_6 {
      "tpu.region"() ({
        %run_scoped3A = tpu.sem_alloc : memref<!tpu.dma_semaphore, #tpu.memory_space<semaphore_mem>>
        tpu.enqueue_dma source(%arg2 : memref<352x128xf32, #tpu.memory_space<hbm>>) target(%arg5 : memref<352x128xf32, #tpu.memory_space<vmem_shared>>) target_semaphore(%run_scoped3A : memref<!tpu.dma_semaphore, #tpu.memory_space<semaphore_mem>>)
        tpu.wait_dma2 semaphore(%run_scoped3A : memref<!tpu.dma_semaphore, #tpu.memory_space<semaphore_mem>>) src(%arg2 : memref<352x128xf32, #tpu.memory_space<hbm>>) dst(%arg5 : memref<352x128xf32, #tpu.memory_space<vmem_shared>>)
        tpu.yield
      }) : () -> ()
    } else {
    }
    %dma_start3A = arith.constant 0 : i32
    %dma_start3A_7 = tpu.memref_slice %arg3[%dma_start3A, %add3A_4] : memref<8x16384xi32, #tpu.memory_space<hbm>> -> memref<1x256xi32, #tpu.memory_space<hbm>>
    %dma_start3A_8 = tpu.memref_squeeze %dma_start3A_7 : memref<1x256xi32, #tpu.memory_space<hbm>> -> memref<256xi32, #tpu.memory_space<hbm>>
    %dma_start3A_9 = tpu.memref_slice %arg3[%dma_start3A, %add3A_4] : memref<8x16384xi32, #tpu.memory_space<hbm>> -> memref<1x256xi32, #tpu.memory_space<hbm>>
    %dma_start3A_10 = tpu.memref_squeeze %dma_start3A_9 : memref<1x256xi32, #tpu.memory_space<hbm>> -> memref<256xi32, #tpu.memory_space<hbm>>
    tpu.enqueue_dma source(%dma_start3A_10 : memref<256xi32, #tpu.memory_space<hbm>>) target(%arg6 : memref<256xi32, #tpu.memory_space<vmem>>) target_semaphore(%arg15 : memref<!tpu.dma_semaphore, #tpu.memory_space<semaphore_mem>>)
    %dma_start3A_11 = arith.constant 1 : i32
    %dma_start3A_12 = tpu.memref_slice %arg3[%dma_start3A_11, %add3A_4] : memref<8x16384xi32, #tpu.memory_space<hbm>> -> memref<1x256xi32, #tpu.memory_space<hbm>>
    %dma_start3A_13 = tpu.memref_squeeze %dma_start3A_12 : memref<1x256xi32, #tpu.memory_space<hbm>> -> memref<256xi32, #tpu.memory_space<hbm>>
    %dma_start3A_14 = tpu.memref_slice %arg3[%dma_start3A_11, %add3A_4] : memref<8x16384xi32, #tpu.memory_space<hbm>> -> memref<1x256xi32, #tpu.memory_space<hbm>>
    %dma_start3A_15 = tpu.memref_squeeze %dma_start3A_14 : memref<1x256xi32, #tpu.memory_space<hbm>> -> memref<256xi32, #tpu.memory_space<hbm>>
    tpu.enqueue_dma source(%dma_start3A_15 : memref<256xi32, #tpu.memory_space<hbm>>) target(%arg7 : memref<256xi32, #tpu.memory_space<vmem>>) target_semaphore(%arg16 : memref<!tpu.dma_semaphore, #tpu.memory_space<semaphore_mem>>)
    %dma_start3A_16 = arith.constant 2 : i32
    %dma_start3A_17 = tpu.memref_slice %arg3[%dma_start3A_16, %add3A_4] : memref<8x16384xi32, #tpu.memory_space<hbm>> -> memref<1x256xi32, #tpu.memory_space<hbm>>
    %dma_start3A_18 = tpu.memref_squeeze %dma_start3A_17 : memref<1x256xi32, #tpu.memory_space<hbm>> -> memref<256xi32, #tpu.memory_space<hbm>>
    %dma_start3A_19 = tpu.memref_slice %arg3[%dma_start3A_16, %add3A_4] : memref<8x16384xi32, #tpu.memory_space<hbm>> -> memref<1x256xi32, #tpu.memory_space<hbm>>
    %dma_start3A_20 = tpu.memref_squeeze %dma_start3A_19 : memref<1x256xi32, #tpu.memory_space<hbm>> -> memref<256xi32, #tpu.memory_space<hbm>>
    tpu.enqueue_dma source(%dma_start3A_20 : memref<256xi32, #tpu.memory_space<hbm>>) target(%arg8 : memref<256xi32, #tpu.memory_space<vmem>>) target_semaphore(%arg17 : memref<!tpu.dma_semaphore, #tpu.memory_space<semaphore_mem>>)
    %dma_wait3A = arith.constant 0 : i32
    %dma_wait3A_21 = tpu.memref_slice %arg3[%dma_wait3A, %add3A_4] : memref<8x16384xi32, #tpu.memory_space<hbm>> -> memref<1x256xi32, #tpu.memory_space<hbm>>
    %dma_wait3A_22 = tpu.memref_squeeze %dma_wait3A_21 : memref<1x256xi32, #tpu.memory_space<hbm>> -> memref<256xi32, #tpu.memory_space<hbm>>
    %dma_wait3A_23 = tpu.memref_slice %arg3[%dma_wait3A, %add3A_4] : memref<8x16384xi32, #tpu.memory_space<hbm>> -> memref<1x256xi32, #tpu.memory_space<hbm>>
    %dma_wait3A_24 = tpu.memref_squeeze %dma_wait3A_23 : memref<1x256xi32, #tpu.memory_space<hbm>> -> memref<256xi32, #tpu.memory_space<hbm>>
    tpu.wait_dma2 semaphore(%arg15 : memref<!tpu.dma_semaphore, #tpu.memory_space<semaphore_mem>>) src(%dma_wait3A_24 : memref<256xi32, #tpu.memory_space<hbm>>) dst(%arg6 : memref<256xi32, #tpu.memory_space<vmem>>)
    %dma_wait3A_25 = arith.constant 1 : i32
    %dma_wait3A_26 = tpu.memref_slice %arg3[%dma_wait3A_25, %add3A_4] : memref<8x16384xi32, #tpu.memory_space<hbm>> -> memref<1x256xi32, #tpu.memory_space<hbm>>
    %dma_wait3A_27 = tpu.memref_squeeze %dma_wait3A_26 : memref<1x256xi32, #tpu.memory_space<hbm>> -> memref<256xi32, #tpu.memory_space<hbm>>
    %dma_wait3A_28 = tpu.memref_slice %arg3[%dma_wait3A_25, %add3A_4] : memref<8x16384xi32, #tpu.memory_space<hbm>> -> memref<1x256xi32, #tpu.memory_space<hbm>>
    %dma_wait3A_29 = tpu.memref_squeeze %dma_wait3A_28 : memref<1x256xi32, #tpu.memory_space<hbm>> -> memref<256xi32, #tpu.memory_space<hbm>>
    tpu.wait_dma2 semaphore(%arg16 : memref<!tpu.dma_semaphore, #tpu.memory_space<semaphore_mem>>) src(%dma_wait3A_29 : memref<256xi32, #tpu.memory_space<hbm>>) dst(%arg7 : memref<256xi32, #tpu.memory_space<vmem>>)
    %dma_wait3A_30 = arith.constant 2 : i32
    %dma_wait3A_31 = tpu.memref_slice %arg3[%dma_wait3A_30, %add3A_4] : memref<8x16384xi32, #tpu.memory_space<hbm>> -> memref<1x256xi32, #tpu.memory_space<hbm>>
    %dma_wait3A_32 = tpu.memref_squeeze %dma_wait3A_31 : memref<1x256xi32, #tpu.memory_space<hbm>> -> memref<256xi32, #tpu.memory_space<hbm>>
    %dma_wait3A_33 = tpu.memref_slice %arg3[%dma_wait3A_30, %add3A_4] : memref<8x16384xi32, #tpu.memory_space<hbm>> -> memref<1x256xi32, #tpu.memory_space<hbm>>
    %dma_wait3A_34 = tpu.memref_squeeze %dma_wait3A_33 : memref<1x256xi32, #tpu.memory_space<hbm>> -> memref<256xi32, #tpu.memory_space<hbm>>
    tpu.wait_dma2 semaphore(%arg17 : memref<!tpu.dma_semaphore, #tpu.memory_space<semaphore_mem>>) src(%dma_wait3A_34 : memref<256xi32, #tpu.memory_space<hbm>>) dst(%arg8 : memref<256xi32, #tpu.memory_space<vmem>>)
    %barrier3A = arith.constant 0 : index
    tpu.barrier barrier_id(%barrier3A)
    %dma_start3A_35 = arith.constant 0 : i32
    %dma_start3A_36 = tpu.memref_slice %arg6[%dma_start3A_35] : memref<256xi32, #tpu.memory_space<vmem>> -> memref<128xi32, #tpu.memory_space<vmem>>
    %dma_start3A_37 = arith.constant 0 : i32
    %dma_start3A_38 = arith.constant 0 : i32
    %dma_start3A_39 = tpu.memref_slice %arg5[%dma_start3A_37, %dma_start3A_38] : memref<352x128xf32, #tpu.memory_space<vmem_shared>> -> memref<352x128xf32, #tpu.memory_space<vmem_shared>>
    tpu.enqueue_indirect_dma source(%dma_start3A_39 : memref<352x128xf32, #tpu.memory_space<vmem_shared>>) target(%arg9 : memref<128x128xf32, #tpu.memory_space<vmem>>) offsets(%dma_start3A_36 : memref<128xi32, #tpu.memory_space<vmem>>) semaphore(%arg15 : memref<!tpu.dma_semaphore, #tpu.memory_space<semaphore_mem>>)
    %dma_start3A_40 = arith.constant 0 : i32
    %dma_start3A_41 = tpu.memref_slice %arg7[%dma_start3A_40] : memref<256xi32, #tpu.memory_space<vmem>> -> memref<128xi32, #tpu.memory_space<vmem>>
    %dma_start3A_42 = arith.constant 0 : i32
    %dma_start3A_43 = arith.constant 0 : i32
    %dma_start3A_44 = tpu.memref_slice %arg5[%dma_start3A_42, %dma_start3A_43] : memref<352x128xf32, #tpu.memory_space<vmem_shared>> -> memref<352x128xf32, #tpu.memory_space<vmem_shared>>
    tpu.enqueue_indirect_dma source(%dma_start3A_44 : memref<352x128xf32, #tpu.memory_space<vmem_shared>>) target(%arg10 : memref<128x128xf32, #tpu.memory_space<vmem>>) offsets(%dma_start3A_41 : memref<128xi32, #tpu.memory_space<vmem>>) semaphore(%arg16 : memref<!tpu.dma_semaphore, #tpu.memory_space<semaphore_mem>>)
    %dma_start3A_45 = arith.constant 0 : i32
    %dma_start3A_46 = tpu.memref_slice %arg8[%dma_start3A_45] : memref<256xi32, #tpu.memory_space<vmem>> -> memref<128xi32, #tpu.memory_space<vmem>>
    %dma_start3A_47 = arith.constant 0 : i32
    %dma_start3A_48 = arith.constant 0 : i32
    %dma_start3A_49 = tpu.memref_slice %arg5[%dma_start3A_47, %dma_start3A_48] : memref<352x128xf32, #tpu.memory_space<vmem_shared>> -> memref<352x128xf32, #tpu.memory_space<vmem_shared>>
    tpu.enqueue_indirect_dma source(%dma_start3A_49 : memref<352x128xf32, #tpu.memory_space<vmem_shared>>) target(%arg11 : memref<128x128xf32, #tpu.memory_space<vmem>>) offsets(%dma_start3A_46 : memref<128xi32, #tpu.memory_space<vmem>>) semaphore(%arg17 : memref<!tpu.dma_semaphore, #tpu.memory_space<semaphore_mem>>)
    %dma_wait3A_50 = arith.constant 0 : i32
    %dma_wait3A_51 = tpu.memref_slice %arg6[%dma_wait3A_50] : memref<256xi32, #tpu.memory_space<vmem>> -> memref<128xi32, #tpu.memory_space<vmem>>
    %dma_wait3A_52 = arith.constant 0 : i32
    %dma_wait3A_53 = arith.constant 0 : i32
    %dma_wait3A_54 = tpu.memref_slice %arg5[%dma_wait3A_52, %dma_wait3A_53] : memref<352x128xf32, #tpu.memory_space<vmem_shared>> -> memref<352x128xf32, #tpu.memory_space<vmem_shared>>
    tpu.wait_indirect_dma semaphore(%arg15 : memref<!tpu.dma_semaphore, #tpu.memory_space<semaphore_mem>>) src(%dma_wait3A_54 : memref<352x128xf32, #tpu.memory_space<vmem_shared>>) dst(%arg9 : memref<128x128xf32, #tpu.memory_space<vmem>>)
    %dma_wait3A_55 = arith.constant 0 : i32
    %dma_wait3A_56 = tpu.memref_slice %arg7[%dma_wait3A_55] : memref<256xi32, #tpu.memory_space<vmem>> -> memref<128xi32, #tpu.memory_space<vmem>>
    %dma_wait3A_57 = arith.constant 0 : i32
    %dma_wait3A_58 = arith.constant 0 : i32
    %dma_wait3A_59 = tpu.memref_slice %arg5[%dma_wait3A_57, %dma_wait3A_58] : memref<352x128xf32, #tpu.memory_space<vmem_shared>> -> memref<352x128xf32, #tpu.memory_space<vmem_shared>>
    tpu.wait_indirect_dma semaphore(%arg16 : memref<!tpu.dma_semaphore, #tpu.memory_space<semaphore_mem>>) src(%dma_wait3A_59 : memref<352x128xf32, #tpu.memory_space<vmem_shared>>) dst(%arg10 : memref<128x128xf32, #tpu.memory_space<vmem>>)
    %dma_wait3A_60 = arith.constant 0 : i32
    %dma_wait3A_61 = tpu.memref_slice %arg8[%dma_wait3A_60] : memref<256xi32, #tpu.memory_space<vmem>> -> memref<128xi32, #tpu.memory_space<vmem>>
    %dma_wait3A_62 = arith.constant 0 : i32
    %dma_wait3A_63 = arith.constant 0 : i32
    %dma_wait3A_64 = tpu.memref_slice %arg5[%dma_wait3A_62, %dma_wait3A_63] : memref<352x128xf32, #tpu.memory_space<vmem_shared>> -> memref<352x128xf32, #tpu.memory_space<vmem_shared>>
    tpu.wait_indirect_dma semaphore(%arg17 : memref<!tpu.dma_semaphore, #tpu.memory_space<semaphore_mem>>) src(%dma_wait3A_64 : memref<352x128xf32, #tpu.memory_space<vmem_shared>>) dst(%arg11 : memref<128x128xf32, #tpu.memory_space<vmem>>)
    %dma_start3A_65 = arith.constant 128 : i32
    %dma_start3A_66 = tpu.memref_slice %arg6[%dma_start3A_65] : memref<256xi32, #tpu.memory_space<vmem>> -> memref<128xi32, #tpu.memory_space<vmem>>
    %dma_start3A_67 = arith.constant 0 : i32
    %dma_start3A_68 = arith.constant 0 : i32
    %dma_start3A_69 = tpu.memref_slice %arg5[%dma_start3A_67, %dma_start3A_68] : memref<352x128xf32, #tpu.memory_space<vmem_shared>> -> memref<352x128xf32, #tpu.memory_space<vmem_shared>>
    tpu.enqueue_indirect_dma source(%dma_start3A_69 : memref<352x128xf32, #tpu.memory_space<vmem_shared>>) target(%arg12 : memref<128x128xf32, #tpu.memory_space<vmem>>) offsets(%dma_start3A_66 : memref<128xi32, #tpu.memory_space<vmem>>) semaphore(%arg18 : memref<!tpu.dma_semaphore, #tpu.memory_space<semaphore_mem>>)
    %dma_start3A_70 = arith.constant 128 : i32
    %dma_start3A_71 = tpu.memref_slice %arg7[%dma_start3A_70] : memref<256xi32, #tpu.memory_space<vmem>> -> memref<128xi32, #tpu.memory_space<vmem>>
    %dma_start3A_72 = arith.constant 0 : i32
    %dma_start3A_73 = arith.constant 0 : i32
    %dma_start3A_74 = tpu.memref_slice %arg5[%dma_start3A_72, %dma_start3A_73] : memref<352x128xf32, #tpu.memory_space<vmem_shared>> -> memref<352x128xf32, #tpu.memory_space<vmem_shared>>
    tpu.enqueue_indirect_dma source(%dma_start3A_74 : memref<352x128xf32, #tpu.memory_space<vmem_shared>>) target(%arg13 : memref<128x128xf32, #tpu.memory_space<vmem>>) offsets(%dma_start3A_71 : memref<128xi32, #tpu.memory_space<vmem>>) semaphore(%arg19 : memref<!tpu.dma_semaphore, #tpu.memory_space<semaphore_mem>>)
    %dma_start3A_75 = arith.constant 128 : i32
    %dma_start3A_76 = tpu.memref_slice %arg8[%dma_start3A_75] : memref<256xi32, #tpu.memory_space<vmem>> -> memref<128xi32, #tpu.memory_space<vmem>>
    %dma_start3A_77 = arith.constant 0 : i32
    %dma_start3A_78 = arith.constant 0 : i32
    %dma_start3A_79 = tpu.memref_slice %arg5[%dma_start3A_77, %dma_start3A_78] : memref<352x128xf32, #tpu.memory_space<vmem_shared>> -> memref<352x128xf32, #tpu.memory_space<vmem_shared>>
    tpu.enqueue_indirect_dma source(%dma_start3A_79 : memref<352x128xf32, #tpu.memory_space<vmem_shared>>) target(%arg14 : memref<128x128xf32, #tpu.memory_space<vmem>>) offsets(%dma_start3A_76 : memref<128xi32, #tpu.memory_space<vmem>>) semaphore(%arg20 : memref<!tpu.dma_semaphore, #tpu.memory_space<semaphore_mem>>)
    %scan3A = arith.constant 0 : i32
    %scan3A_80 = arith.constant 128 : i32
    %scan3A_81 = arith.addi %scan3A, %scan3A_80 : i32
    %scan3A_82 = arith.constant 1 : i32
    scf.for %scan3A_128 = %scan3A to %scan3A_81 step %scan3A_82  : i32 {
      %mul3A_129 = arith.constant 1 : i32
      %mul3A_130 = arith.muli %scan3A_128, %mul3A_129 : i32
      %add3A_131 = arith.constant 0 : i32
      %add3A_132 = arith.addi %add3A_131, %mul3A_130 : i32
      %get3A = arith.index_cast %add3A_132 : i32 to index
      %get3A_133 = arith.constant 0 : index
      %get3A_134 = tpu.vector_load %arg9[%get3A, %get3A_133] {strides = array<i32>} : memref<128x128xf32, #tpu.memory_space<vmem>>, vector<16xf32>,
      %get3A_135 = arith.index_cast %add3A_132 : i32 to index
      %get3A_136 = arith.constant 0 : index
      %get3A_137 = tpu.vector_load %arg10[%get3A_135, %get3A_136] {strides = array<i32>} : memref<128x128xf32, #tpu.memory_space<vmem>>, vector<16xf32>,
      %add3A_138 = arith.addf %get3A_134, %get3A_137 : vector<16xf32>
      %get3A_139 = arith.index_cast %add3A_132 : i32 to index
      %get3A_140 = arith.constant 0 : index
      %get3A_141 = tpu.vector_load %arg11[%get3A_139, %get3A_140] {strides = array<i32>} : memref<128x128xf32, #tpu.memory_space<vmem>>, vector<16xf32>,
      %add3A_142 = arith.addf %add3A_138, %get3A_141 : vector<16xf32>
      %swap3A = arith.index_cast %add3A_132 : i32 to index
      %swap3A_143 = arith.constant 0 : index
      %swap3A_144 = tpu.vector_load %arg9[%swap3A, %swap3A_143] {strides = array<i32>} : memref<128x128xf32, #tpu.memory_space<vmem>>, vector<16xf32>,
      tpu.vector_store %arg9[%swap3A, %swap3A_143], %add3A_142 {strides = array<i32>} : memref<128x128xf32, #tpu.memory_space<vmem>>, vector<16xf32>,
      %get3A_145 = arith.index_cast %add3A_132 : i32 to index
      %get3A_146 = arith.constant 16 : index
      %get3A_147 = tpu.vector_load %arg9[%get3A_145, %get3A_146] {strides = array<i32>} : memref<128x128xf32, #tpu.memory_space<vmem>>, vector<16xf32>,
      %get3A_148 = arith.index_cast %add3A_132 : i32 to index
      %get3A_149 = arith.constant 16 : index
      %get3A_150 = tpu.vector_load %arg10[%get3A_148, %get3A_149] {strides = array<i32>} : memref<128x128xf32, #tpu.memory_space<vmem>>, vector<16xf32>,
      %add3A_151 = arith.addf %get3A_147, %get3A_150 : vector<16xf32>
      %get3A_152 = arith.index_cast %add3A_132 : i32 to index
      %get3A_153 = arith.constant 16 : index
      %get3A_154 = tpu.vector_load %arg11[%get3A_152, %get3A_153] {strides = array<i32>} : memref<128x128xf32, #tpu.memory_space<vmem>>, vector<16xf32>,
      %add3A_155 = arith.addf %add3A_151, %get3A_154 : vector<16xf32>
      %swap3A_156 = arith.index_cast %add3A_132 : i32 to index
      %swap3A_157 = arith.constant 16 : index
      %swap3A_158 = tpu.vector_load %arg9[%swap3A_156, %swap3A_157] {strides = array<i32>} : memref<128x128xf32, #tpu.memory_space<vmem>>, vector<16xf32>,
      tpu.vector_store %arg9[%swap3A_156, %swap3A_157], %add3A_155 {strides = array<i32>} : memref<128x128xf32, #tpu.memory_space<vmem>>, vector<16xf32>,
      %get3A_159 = arith.index_cast %add3A_132 : i32 to index
      %get3A_160 = arith.constant 32 : index
      %get3A_161 = tpu.vector_load %arg9[%get3A_159, %get3A_160] {strides = array<i32>} : memref<128x128xf32, #tpu.memory_space<vmem>>, vector<16xf32>,
      %get3A_162 = arith.index_cast %add3A_132 : i32 to index
      %get3A_163 = arith.constant 32 : index
      %get3A_164 = tpu.vector_load %arg10[%get3A_162, %get3A_163] {strides = array<i32>} : memref<128x128xf32, #tpu.memory_space<vmem>>, vector<16xf32>,
      %add3A_165 = arith.addf %get3A_161, %get3A_164 : vector<16xf32>
      %get3A_166 = arith.index_cast %add3A_132 : i32 to index
      %get3A_167 = arith.constant 32 : index
      %get3A_168 = tpu.vector_load %arg11[%get3A_166, %get3A_167] {strides = array<i32>} : memref<128x128xf32, #tpu.memory_space<vmem>>, vector<16xf32>,
      %add3A_169 = arith.addf %add3A_165, %get3A_168 : vector<16xf32>
      %swap3A_170 = arith.index_cast %add3A_132 : i32 to index
      %swap3A_171 = arith.constant 32 : index
      %swap3A_172 = tpu.vector_load %arg9[%swap3A_170, %swap3A_171] {strides = array<i32>} : memref<128x128xf32, #tpu.memory_space<vmem>>, vector<16xf32>,
      tpu.vector_store %arg9[%swap3A_170, %swap3A_171], %add3A_169 {strides = array<i32>} : memref<128x128xf32, #tpu.memory_space<vmem>>, vector<16xf32>,
      %get3A_173 = arith.index_cast %add3A_132 : i32 to index
      %get3A_174 = arith.constant 48 : index
      %get3A_175 = tpu.vector_load %arg9[%get3A_173, %get3A_174] {strides = array<i32>} : memref<128x128xf32, #tpu.memory_space<vmem>>, vector<16xf32>,
      %get3A_176 = arith.index_cast %add3A_132 : i32 to index
      %get3A_177 = arith.constant 48 : index
      %get3A_178 = tpu.vector_load %arg10[%get3A_176, %get3A_177] {strides = array<i32>} : memref<128x128xf32, #tpu.memory_space<vmem>>, vector<16xf32>,
      %add3A_179 = arith.addf %get3A_175, %get3A_178 : vector<16xf32>
      %get3A_180 = arith.index_cast %add3A_132 : i32 to index
      %get3A_181 = arith.constant 48 : index
      %get3A_182 = tpu.vector_load %arg11[%get3A_180, %get3A_181] {strides = array<i32>} : memref<128x128xf32, #tpu.memory_space<vmem>>, vector<16xf32>,
      %add3A_183 = arith.addf %add3A_179, %get3A_182 : vector<16xf32>
      %swap3A_184 = arith.index_cast %add3A_132 : i32 to index
      %swap3A_185 = arith.constant 48 : index
      %swap3A_186 = tpu.vector_load %arg9[%swap3A_184, %swap3A_185] {strides = array<i32>} : memref<128x128xf32, #tpu.memory_space<vmem>>, vector<16xf32>,
      tpu.vector_store %arg9[%swap3A_184, %swap3A_185], %add3A_183 {strides = array<i32>} : memref<128x128xf32, #tpu.memory_space<vmem>>, vector<16xf32>,
      %get3A_187 = arith.index_cast %add3A_132 : i32 to index
      %get3A_188 = arith.constant 64 : index
      %get3A_189 = tpu.vector_load %arg9[%get3A_187, %get3A_188] {strides = array<i32>} : memref<128x128xf32, #tpu.memory_space<vmem>>, vector<16xf32>,
      %get3A_190 = arith.index_cast %add3A_132 : i32 to index
      %get3A_191 = arith.constant 64 : index
      %get3A_192 = tpu.vector_load %arg10[%get3A_190, %get3A_191] {strides = array<i32>} : memref<128x128xf32, #tpu.memory_space<vmem>>, vector<16xf32>,
      %add3A_193 = arith.addf %get3A_189, %get3A_192 : vector<16xf32>
      %get3A_194 = arith.index_cast %add3A_132 : i32 to index
      %get3A_195 = arith.constant 64 : index
      %get3A_196 = tpu.vector_load %arg11[%get3A_194, %get3A_195] {strides = array<i32>} : memref<128x128xf32, #tpu.memory_space<vmem>>, vector<16xf32>,
      %add3A_197 = arith.addf %add3A_193, %get3A_196 : vector<16xf32>
      %swap3A_198 = arith.index_cast %add3A_132 : i32 to index
      %swap3A_199 = arith.constant 64 : index
      %swap3A_200 = tpu.vector_load %arg9[%swap3A_198, %swap3A_199] {strides = array<i32>} : memref<128x128xf32, #tpu.memory_space<vmem>>, vector<16xf32>,
      tpu.vector_store %arg9[%swap3A_198, %swap3A_199], %add3A_197 {strides = array<i32>} : memref<128x128xf32, #tpu.memory_space<vmem>>, vector<16xf32>,
      %get3A_201 = arith.index_cast %add3A_132 : i32 to index
      %get3A_202 = arith.constant 80 : index
      %get3A_203 = tpu.vector_load %arg9[%get3A_201, %get3A_202] {strides = array<i32>} : memref<128x128xf32, #tpu.memory_space<vmem>>, vector<16xf32>,
      %get3A_204 = arith.index_cast %add3A_132 : i32 to index
      %get3A_205 = arith.constant 80 : index
      %get3A_206 = tpu.vector_load %arg10[%get3A_204, %get3A_205] {strides = array<i32>} : memref<128x128xf32, #tpu.memory_space<vmem>>, vector<16xf32>,
      %add3A_207 = arith.addf %get3A_203, %get3A_206 : vector<16xf32>
      %get3A_208 = arith.index_cast %add3A_132 : i32 to index
      %get3A_209 = arith.constant 80 : index
      %get3A_210 = tpu.vector_load %arg11[%get3A_208, %get3A_209] {strides = array<i32>} : memref<128x128xf32, #tpu.memory_space<vmem>>, vector<16xf32>,
      %add3A_211 = arith.addf %add3A_207, %get3A_210 : vector<16xf32>
      %swap3A_212 = arith.index_cast %add3A_132 : i32 to index
      %swap3A_213 = arith.constant 80 : index
      %swap3A_214 = tpu.vector_load %arg9[%swap3A_212, %swap3A_213] {strides = array<i32>} : memref<128x128xf32, #tpu.memory_space<vmem>>, vector<16xf32>,
      tpu.vector_store %arg9[%swap3A_212, %swap3A_213], %add3A_211 {strides = array<i32>} : memref<128x128xf32, #tpu.memory_space<vmem>>, vector<16xf32>,
      %get3A_215 = arith.index_cast %add3A_132 : i32 to index
      %get3A_216 = arith.constant 96 : index
      %get3A_217 = tpu.vector_load %arg9[%get3A_215, %get3A_216] {strides = array<i32>} : memref<128x128xf32, #tpu.memory_space<vmem>>, vector<16xf32>,
      %get3A_218 = arith.index_cast %add3A_132 : i32 to index
      %get3A_219 = arith.constant 96 : index
      %get3A_220 = tpu.vector_load %arg10[%get3A_218, %get3A_219] {strides = array<i32>} : memref<128x128xf32, #tpu.memory_space<vmem>>, vector<16xf32>,
      %add3A_221 = arith.addf %get3A_217, %get3A_220 : vector<16xf32>
      %get3A_222 = arith.index_cast %add3A_132 : i32 to index
      %get3A_223 = arith.constant 96 : index
      %get3A_224 = tpu.vector_load %arg11[%get3A_222, %get3A_223] {strides = array<i32>} : memref<128x128xf32, #tpu.memory_space<vmem>>, vector<16xf32>,
      %add3A_225 = arith.addf %add3A_221, %get3A_224 : vector<16xf32>
      %swap3A_226 = arith.index_cast %add3A_132 : i32 to index
      %swap3A_227 = arith.constant 96 : index
      %swap3A_228 = tpu.vector_load %arg9[%swap3A_226, %swap3A_227] {strides = array<i32>} : memref<128x128xf32, #tpu.memory_space<vmem>>, vector<16xf32>,
      tpu.vector_store %arg9[%swap3A_226, %swap3A_227], %add3A_225 {strides = array<i32>} : memref<128x128xf32, #tpu.memory_space<vmem>>, vector<16xf32>,
      %get3A_229 = arith.index_cast %add3A_132 : i32 to index
      %get3A_230 = arith.constant 112 : index
      %get3A_231 = tpu.vector_load %arg9[%get3A_229, %get3A_230] {strides = array<i32>} : memref<128x128xf32, #tpu.memory_space<vmem>>, vector<16xf32>,
      %get3A_232 = arith.index_cast %add3A_132 : i32 to index
      %get3A_233 = arith.constant 112 : index
      %get3A_234 = tpu.vector_load %arg10[%get3A_232, %get3A_233] {strides = array<i32>} : memref<128x128xf32, #tpu.memory_space<vmem>>, vector<16xf32>,
      %add3A_235 = arith.addf %get3A_231, %get3A_234 : vector<16xf32>
      %get3A_236 = arith.index_cast %add3A_132 : i32 to index
      %get3A_237 = arith.constant 112 : index
      %get3A_238 = tpu.vector_load %arg11[%get3A_236, %get3A_237] {strides = array<i32>} : memref<128x128xf32, #tpu.memory_space<vmem>>, vector<16xf32>,
      %add3A_239 = arith.addf %add3A_235, %get3A_238 : vector<16xf32>
      %swap3A_240 = arith.index_cast %add3A_132 : i32 to index
      %swap3A_241 = arith.constant 112 : index
      %swap3A_242 = tpu.vector_load %arg9[%swap3A_240, %swap3A_241] {strides = array<i32>} : memref<128x128xf32, #tpu.memory_space<vmem>>, vector<16xf32>,
      tpu.vector_store %arg9[%swap3A_240, %swap3A_241], %add3A_239 {strides = array<i32>} : memref<128x128xf32, #tpu.memory_space<vmem>>, vector<16xf32>,
    }
    %scan3A_83 = arith.constant 128 : i32
    %mul3A_84 = arith.constant 256 : i32
    %mul3A_85 = arith.muli %add3A, %mul3A_84 : i32
    %add3A_86 = arith.constant 0 : i32
    %add3A_87 = arith.addi %mul3A_85, %add3A_86 : i32
    %dma_start3A_88 = arith.constant 0 : i32
    %dma_start3A_89 = tpu.memref_slice %arg4[%add3A_87, %dma_start3A_88] : memref<8192x128xf32, #tpu.memory_space<hbm>> -> memref<128x128xf32, #tpu.memory_space<hbm>>
    %dma_start3A_90 = arith.constant 0 : i32
    %dma_start3A_91 = tpu.memref_slice %arg4[%add3A_87, %dma_start3A_90] : memref<8192x128xf32, #tpu.memory_space<hbm>> -> memref<128x128xf32, #tpu.memory_space<hbm>>
    tpu.enqueue_dma source(%arg9 : memref<128x128xf32, #tpu.memory_space<vmem>>) target(%dma_start3A_91 : memref<128x128xf32, #tpu.memory_space<hbm>>) target_semaphore(%arg21 : memref<!tpu.dma_semaphore, #tpu.memory_space<semaphore_mem>>)
    %dma_wait3A_92 = arith.constant 128 : i32
    %dma_wait3A_93 = tpu.memref_slice %arg6[%dma_wait3A_92] : memref<256xi32, #tpu.memory_space<vmem>> -> memref<128xi32, #tpu.memory_space<vmem>>
    %dma_wait3A_94 = arith.constant 0 : i32
    %dma_wait3A_95 = arith.constant 0 : i32
    %dma_wait3A_96 = tpu.memref_slice %arg5[%dma_wait3A_94, %dma_wait3A_95] : memref<352x128xf32, #tpu.memory_space<vmem_shared>> -> memref<352x128xf32, #tpu.memory_space<vmem_shared>>
    tpu.wait_indirect_dma semaphore(%arg18 : memref<!tpu.dma_semaphore, #tpu.memory_space<semaphore_mem>>) src(%dma_wait3A_96 : memref<352x128xf32, #tpu.memory_space<vmem_shared>>) dst(%arg12 : memref<128x128xf32, #tpu.memory_space<vmem>>)
    %dma_wait3A_97 = arith.constant 128 : i32
    %dma_wait3A_98 = tpu.memref_slice %arg7[%dma_wait3A_97] : memref<256xi32, #tpu.memory_space<vmem>> -> memref<128xi32, #tpu.memory_space<vmem>>
    %dma_wait3A_99 = arith.constant 0 : i32
    %dma_wait3A_100 = arith.constant 0 : i32
    %dma_wait3A_101 = tpu.memref_slice %arg5[%dma_wait3A_99, %dma_wait3A_100] : memref<352x128xf32, #tpu.memory_space<vmem_shared>> -> memref<352x128xf32, #tpu.memory_space<vmem_shared>>
    tpu.wait_indirect_dma semaphore(%arg19 : memref<!tpu.dma_semaphore, #tpu.memory_space<semaphore_mem>>) src(%dma_wait3A_101 : memref<352x128xf32, #tpu.memory_space<vmem_shared>>) dst(%arg13 : memref<128x128xf32, #tpu.memory_space<vmem>>)
    %dma_wait3A_102 = arith.constant 128 : i32
    %dma_wait3A_103 = tpu.memref_slice %arg8[%dma_wait3A_102] : memref<256xi32, #tpu.memory_space<vmem>> -> memref<128xi32, #tpu.memory_space<vmem>>
    %dma_wait3A_104 = arith.constant 0 : i32
    %dma_wait3A_105 = arith.constant 0 : i32
    %dma_wait3A_106 = tpu.memref_slice %arg5[%dma_wait3A_104, %dma_wait3A_105] : memref<352x128xf32, #tpu.memory_space<vmem_shared>> -> memref<352x128xf32, #tpu.memory_space<vmem_shared>>
    tpu.wait_indirect_dma semaphore(%arg20 : memref<!tpu.dma_semaphore, #tpu.memory_space<semaphore_mem>>) src(%dma_wait3A_106 : memref<352x128xf32, #tpu.memory_space<vmem_shared>>) dst(%arg14 : memref<128x128xf32, #tpu.memory_space<vmem>>)
    %scan3A_107 = arith.constant 0 : i32
    %scan3A_108 = arith.constant 128 : i32
    %scan3A_109 = arith.addi %scan3A_107, %scan3A_108 : i32
    %scan3A_110 = arith.constant 1 : i32
    scf.for %scan3A_128 = %scan3A_107 to %scan3A_109 step %scan3A_110  : i32 {
      %mul3A_129 = arith.constant 1 : i32
      %mul3A_130 = arith.muli %scan3A_128, %mul3A_129 : i32
      %add3A_131 = arith.constant 0 : i32
      %add3A_132 = arith.addi %add3A_131, %mul3A_130 : i32
      %get3A = arith.index_cast %add3A_132 : i32 to index
      %get3A_133 = arith.constant 0 : index
      %get3A_134 = tpu.vector_load %arg12[%get3A, %get3A_133] {strides = array<i32>} : memref<128x128xf32, #tpu.memory_space<vmem>>, vector<16xf32>,
      %get3A_135 = arith.index_cast %add3A_132 : i32 to index
      %get3A_136 = arith.constant 0 : index
      %get3A_137 = tpu.vector_load %arg13[%get3A_135, %get3A_136] {strides = array<i32>} : memref<128x128xf32, #tpu.memory_space<vmem>>, vector<16xf32>,
      %add3A_138 = arith.addf %get3A_134, %get3A_137 : vector<16xf32>
      %get3A_139 = arith.index_cast %add3A_132 : i32 to index
      %get3A_140 = arith.constant 0 : index
      %get3A_141 = tpu.vector_load %arg14[%get3A_139, %get3A_140] {strides = array<i32>} : memref<128x128xf32, #tpu.memory_space<vmem>>, vector<16xf32>,
      %add3A_142 = arith.addf %add3A_138, %get3A_141 : vector<16xf32>
      %swap3A = arith.index_cast %add3A_132 : i32 to index
      %swap3A_143 = arith.constant 0 : index
      %swap3A_144 = tpu.vector_load %arg12[%swap3A, %swap3A_143] {strides = array<i32>} : memref<128x128xf32, #tpu.memory_space<vmem>>, vector<16xf32>,
      tpu.vector_store %arg12[%swap3A, %swap3A_143], %add3A_142 {strides = array<i32>} : memref<128x128xf32, #tpu.memory_space<vmem>>, vector<16xf32>,
      %get3A_145 = arith.index_cast %add3A_132 : i32 to index
      %get3A_146 = arith.constant 16 : index
      %get3A_147 = tpu.vector_load %arg12[%get3A_145, %get3A_146] {strides = array<i32>} : memref<128x128xf32, #tpu.memory_space<vmem>>, vector<16xf32>,
      %get3A_148 = arith.index_cast %add3A_132 : i32 to index
      %get3A_149 = arith.constant 16 : index
      %get3A_150 = tpu.vector_load %arg13[%get3A_148, %get3A_149] {strides = array<i32>} : memref<128x128xf32, #tpu.memory_space<vmem>>, vector<16xf32>,
      %add3A_151 = arith.addf %get3A_147, %get3A_150 : vector<16xf32>
      %get3A_152 = arith.index_cast %add3A_132 : i32 to index
      %get3A_153 = arith.constant 16 : index
      %get3A_154 = tpu.vector_load %arg14[%get3A_152, %get3A_153] {strides = array<i32>} : memref<128x128xf32, #tpu.memory_space<vmem>>, vector<16xf32>,
      %add3A_155 = arith.addf %add3A_151, %get3A_154 : vector<16xf32>
      %swap3A_156 = arith.index_cast %add3A_132 : i32 to index
      %swap3A_157 = arith.constant 16 : index
      %swap3A_158 = tpu.vector_load %arg12[%swap3A_156, %swap3A_157] {strides = array<i32>} : memref<128x128xf32, #tpu.memory_space<vmem>>, vector<16xf32>,
      tpu.vector_store %arg12[%swap3A_156, %swap3A_157], %add3A_155 {strides = array<i32>} : memref<128x128xf32, #tpu.memory_space<vmem>>, vector<16xf32>,
      %get3A_159 = arith.index_cast %add3A_132 : i32 to index
      %get3A_160 = arith.constant 32 : index
      %get3A_161 = tpu.vector_load %arg12[%get3A_159, %get3A_160] {strides = array<i32>} : memref<128x128xf32, #tpu.memory_space<vmem>>, vector<16xf32>,
      %get3A_162 = arith.index_cast %add3A_132 : i32 to index
      %get3A_163 = arith.constant 32 : index
      %get3A_164 = tpu.vector_load %arg13[%get3A_162, %get3A_163] {strides = array<i32>} : memref<128x128xf32, #tpu.memory_space<vmem>>, vector<16xf32>,
      %add3A_165 = arith.addf %get3A_161, %get3A_164 : vector<16xf32>
      %get3A_166 = arith.index_cast %add3A_132 : i32 to index
      %get3A_167 = arith.constant 32 : index
      %get3A_168 = tpu.vector_load %arg14[%get3A_166, %get3A_167] {strides = array<i32>} : memref<128x128xf32, #tpu.memory_space<vmem>>, vector<16xf32>,
      %add3A_169 = arith.addf %add3A_165, %get3A_168 : vector<16xf32>
      %swap3A_170 = arith.index_cast %add3A_132 : i32 to index
      %swap3A_171 = arith.constant 32 : index
      %swap3A_172 = tpu.vector_load %arg12[%swap3A_170, %swap3A_171] {strides = array<i32>} : memref<128x128xf32, #tpu.memory_space<vmem>>, vector<16xf32>,
      tpu.vector_store %arg12[%swap3A_170, %swap3A_171], %add3A_169 {strides = array<i32>} : memref<128x128xf32, #tpu.memory_space<vmem>>, vector<16xf32>,
      %get3A_173 = arith.index_cast %add3A_132 : i32 to index
      %get3A_174 = arith.constant 48 : index
      %get3A_175 = tpu.vector_load %arg12[%get3A_173, %get3A_174] {strides = array<i32>} : memref<128x128xf32, #tpu.memory_space<vmem>>, vector<16xf32>,
      %get3A_176 = arith.index_cast %add3A_132 : i32 to index
      %get3A_177 = arith.constant 48 : index
      %get3A_178 = tpu.vector_load %arg13[%get3A_176, %get3A_177] {strides = array<i32>} : memref<128x128xf32, #tpu.memory_space<vmem>>, vector<16xf32>,
      %add3A_179 = arith.addf %get3A_175, %get3A_178 : vector<16xf32>
      %get3A_180 = arith.index_cast %add3A_132 : i32 to index
      %get3A_181 = arith.constant 48 : index
      %get3A_182 = tpu.vector_load %arg14[%get3A_180, %get3A_181] {strides = array<i32>} : memref<128x128xf32, #tpu.memory_space<vmem>>, vector<16xf32>,
      %add3A_183 = arith.addf %add3A_179, %get3A_182 : vector<16xf32>
      %swap3A_184 = arith.index_cast %add3A_132 : i32 to index
      %swap3A_185 = arith.constant 48 : index
      %swap3A_186 = tpu.vector_load %arg12[%swap3A_184, %swap3A_185] {strides = array<i32>} : memref<128x128xf32, #tpu.memory_space<vmem>>, vector<16xf32>,
      tpu.vector_store %arg12[%swap3A_184, %swap3A_185], %add3A_183 {strides = array<i32>} : memref<128x128xf32, #tpu.memory_space<vmem>>, vector<16xf32>,
      %get3A_187 = arith.index_cast %add3A_132 : i32 to index
      %get3A_188 = arith.constant 64 : index
      %get3A_189 = tpu.vector_load %arg12[%get3A_187, %get3A_188] {strides = array<i32>} : memref<128x128xf32, #tpu.memory_space<vmem>>, vector<16xf32>,
      %get3A_190 = arith.index_cast %add3A_132 : i32 to index
      %get3A_191 = arith.constant 64 : index
      %get3A_192 = tpu.vector_load %arg13[%get3A_190, %get3A_191] {strides = array<i32>} : memref<128x128xf32, #tpu.memory_space<vmem>>, vector<16xf32>,
      %add3A_193 = arith.addf %get3A_189, %get3A_192 : vector<16xf32>
      %get3A_194 = arith.index_cast %add3A_132 : i32 to index
      %get3A_195 = arith.constant 64 : index
      %get3A_196 = tpu.vector_load %arg14[%get3A_194, %get3A_195] {strides = array<i32>} : memref<128x128xf32, #tpu.memory_space<vmem>>, vector<16xf32>,
      %add3A_197 = arith.addf %add3A_193, %get3A_196 : vector<16xf32>
      %swap3A_198 = arith.index_cast %add3A_132 : i32 to index
      %swap3A_199 = arith.constant 64 : index
      %swap3A_200 = tpu.vector_load %arg12[%swap3A_198, %swap3A_199] {strides = array<i32>} : memref<128x128xf32, #tpu.memory_space<vmem>>, vector<16xf32>,
      tpu.vector_store %arg12[%swap3A_198, %swap3A_199], %add3A_197 {strides = array<i32>} : memref<128x128xf32, #tpu.memory_space<vmem>>, vector<16xf32>,
      %get3A_201 = arith.index_cast %add3A_132 : i32 to index
      %get3A_202 = arith.constant 80 : index
      %get3A_203 = tpu.vector_load %arg12[%get3A_201, %get3A_202] {strides = array<i32>} : memref<128x128xf32, #tpu.memory_space<vmem>>, vector<16xf32>,
      %get3A_204 = arith.index_cast %add3A_132 : i32 to index
      %get3A_205 = arith.constant 80 : index
      %get3A_206 = tpu.vector_load %arg13[%get3A_204, %get3A_205] {strides = array<i32>} : memref<128x128xf32, #tpu.memory_space<vmem>>, vector<16xf32>,
      %add3A_207 = arith.addf %get3A_203, %get3A_206 : vector<16xf32>
      %get3A_208 = arith.index_cast %add3A_132 : i32 to index
      %get3A_209 = arith.constant 80 : index
      %get3A_210 = tpu.vector_load %arg14[%get3A_208, %get3A_209] {strides = array<i32>} : memref<128x128xf32, #tpu.memory_space<vmem>>, vector<16xf32>,
      %add3A_211 = arith.addf %add3A_207, %get3A_210 : vector<16xf32>
      %swap3A_212 = arith.index_cast %add3A_132 : i32 to index
      %swap3A_213 = arith.constant 80 : index
      %swap3A_214 = tpu.vector_load %arg12[%swap3A_212, %swap3A_213] {strides = array<i32>} : memref<128x128xf32, #tpu.memory_space<vmem>>, vector<16xf32>,
      tpu.vector_store %arg12[%swap3A_212, %swap3A_213], %add3A_211 {strides = array<i32>} : memref<128x128xf32, #tpu.memory_space<vmem>>, vector<16xf32>,
      %get3A_215 = arith.index_cast %add3A_132 : i32 to index
      %get3A_216 = arith.constant 96 : index
      %get3A_217 = tpu.vector_load %arg12[%get3A_215, %get3A_216] {strides = array<i32>} : memref<128x128xf32, #tpu.memory_space<vmem>>, vector<16xf32>,
      %get3A_218 = arith.index_cast %add3A_132 : i32 to index
      %get3A_219 = arith.constant 96 : index
      %get3A_220 = tpu.vector_load %arg13[%get3A_218, %get3A_219] {strides = array<i32>} : memref<128x128xf32, #tpu.memory_space<vmem>>, vector<16xf32>,
      %add3A_221 = arith.addf %get3A_217, %get3A_220 : vector<16xf32>
      %get3A_222 = arith.index_cast %add3A_132 : i32 to index
      %get3A_223 = arith.constant 96 : index
      %get3A_224 = tpu.vector_load %arg14[%get3A_222, %get3A_223] {strides = array<i32>} : memref<128x128xf32, #tpu.memory_space<vmem>>, vector<16xf32>,
      %add3A_225 = arith.addf %add3A_221, %get3A_224 : vector<16xf32>
      %swap3A_226 = arith.index_cast %add3A_132 : i32 to index
      %swap3A_227 = arith.constant 96 : index
      %swap3A_228 = tpu.vector_load %arg12[%swap3A_226, %swap3A_227] {strides = array<i32>} : memref<128x128xf32, #tpu.memory_space<vmem>>, vector<16xf32>,
      tpu.vector_store %arg12[%swap3A_226, %swap3A_227], %add3A_225 {strides = array<i32>} : memref<128x128xf32, #tpu.memory_space<vmem>>, vector<16xf32>,
      %get3A_229 = arith.index_cast %add3A_132 : i32 to index
      %get3A_230 = arith.constant 112 : index
      %get3A_231 = tpu.vector_load %arg12[%get3A_229, %get3A_230] {strides = array<i32>} : memref<128x128xf32, #tpu.memory_space<vmem>>, vector<16xf32>,
      %get3A_232 = arith.index_cast %add3A_132 : i32 to index
      %get3A_233 = arith.constant 112 : index
      %get3A_234 = tpu.vector_load %arg13[%get3A_232, %get3A_233] {strides = array<i32>} : memref<128x128xf32, #tpu.memory_space<vmem>>, vector<16xf32>,
      %add3A_235 = arith.addf %get3A_231, %get3A_234 : vector<16xf32>
      %get3A_236 = arith.index_cast %add3A_132 : i32 to index
      %get3A_237 = arith.constant 112 : index
      %get3A_238 = tpu.vector_load %arg14[%get3A_236, %get3A_237] {strides = array<i32>} : memref<128x128xf32, #tpu.memory_space<vmem>>, vector<16xf32>,
      %add3A_239 = arith.addf %add3A_235, %get3A_238 : vector<16xf32>
      %swap3A_240 = arith.index_cast %add3A_132 : i32 to index
      %swap3A_241 = arith.constant 112 : index
      %swap3A_242 = tpu.vector_load %arg12[%swap3A_240, %swap3A_241] {strides = array<i32>} : memref<128x128xf32, #tpu.memory_space<vmem>>, vector<16xf32>,
      tpu.vector_store %arg12[%swap3A_240, %swap3A_241], %add3A_239 {strides = array<i32>} : memref<128x128xf32, #tpu.memory_space<vmem>>, vector<16xf32>,
    }
    %scan3A_111 = arith.constant 128 : i32
    %mul3A_112 = arith.constant 256 : i32
    %mul3A_113 = arith.muli %add3A, %mul3A_112 : i32
    %add3A_114 = arith.constant 128 : i32
    %add3A_115 = arith.addi %mul3A_113, %add3A_114 : i32
    %dma_start3A_116 = arith.constant 0 : i32
    %dma_start3A_117 = tpu.memref_slice %arg4[%add3A_115, %dma_start3A_116] : memref<8192x128xf32, #tpu.memory_space<hbm>> -> memref<128x128xf32, #tpu.memory_space<hbm>>
    %dma_start3A_118 = arith.constant 0 : i32
    %dma_start3A_119 = tpu.memref_slice %arg4[%add3A_115, %dma_start3A_118] : memref<8192x128xf32, #tpu.memory_space<hbm>> -> memref<128x128xf32, #tpu.memory_space<hbm>>
    tpu.enqueue_dma source(%arg12 : memref<128x128xf32, #tpu.memory_space<vmem>>) target(%dma_start3A_119 : memref<128x128xf32, #tpu.memory_space<hbm>>) target_semaphore(%arg22 : memref<!tpu.dma_semaphore, #tpu.memory_space<semaphore_mem>>)
    %dma_wait3A_120 = arith.constant 0 : i32
    %dma_wait3A_121 = tpu.memref_slice %arg4[%add3A_87, %dma_wait3A_120] : memref<8192x128xf32, #tpu.memory_space<hbm>> -> memref<128x128xf32, #tpu.memory_space<hbm>>
    %dma_wait3A_122 = arith.constant 0 : i32
    %dma_wait3A_123 = tpu.memref_slice %arg4[%add3A_87, %dma_wait3A_122] : memref<8192x128xf32, #tpu.memory_space<hbm>> -> memref<128x128xf32, #tpu.memory_space<hbm>>
    tpu.wait_dma2 semaphore(%arg21 : memref<!tpu.dma_semaphore, #tpu.memory_space<semaphore_mem>>) src(%arg9 : memref<128x128xf32, #tpu.memory_space<vmem>>) dst(%dma_wait3A_123 : memref<128x128xf32, #tpu.memory_space<hbm>>)
    %dma_wait3A_124 = arith.constant 0 : i32
    %dma_wait3A_125 = tpu.memref_slice %arg4[%add3A_115, %dma_wait3A_124] : memref<8192x128xf32, #tpu.memory_space<hbm>> -> memref<128x128xf32, #tpu.memory_space<hbm>>
    %dma_wait3A_126 = arith.constant 0 : i32
    %dma_wait3A_127 = tpu.memref_slice %arg4[%add3A_115, %dma_wait3A_126] : memref<8192x128xf32, #tpu.memory_space<hbm>> -> memref<128x128xf32, #tpu.memory_space<hbm>>
    tpu.wait_dma2 semaphore(%arg22 : memref<!tpu.dma_semaphore, #tpu.memory_space<semaphore_mem>>) src(%arg12 : memref<128x128xf32, #tpu.memory_space<vmem>>) dst(%dma_wait3A_127 : memref<128x128xf32, #tpu.memory_space<hbm>>)
    return
  }
}

#map = affine_map<(d0, d1) -> (0, 0)>
module attributes {stable_mosaic.version = 14 : i64} {
  func.func @_sc_gather_sum(%arg0: i32, %arg1: i32, %arg2: memref<352x128xf32, #tpu.memory_space<hbm>>, %arg3: memref<8x16384xi32, #tpu.memory_space<hbm>>, %arg4: memref<8192x128xf32, #tpu.memory_space<hbm>>, %arg5: memref<352x128xf32, #tpu.memory_space<vmem_shared>>, %arg6: memref<256xi32, #tpu.memory_space<vmem>>, %arg7: memref<256xi32, #tpu.memory_space<vmem>>, %arg8: memref<256xi32, #tpu.memory_space<vmem>>, %arg9: memref<128x128xf32, #tpu.memory_space<vmem>>, %arg10: memref<128x128xf32, #tpu.memory_space<vmem>>, %arg11: memref<128x128xf32, #tpu.memory_space<vmem>>, %arg12: memref<128x128xf32, #tpu.memory_space<vmem>>, %arg13: memref<128x128xf32, #tpu.memory_space<vmem>>, %arg14: memref<128x128xf32, #tpu.memory_space<vmem>>, %arg15: memref<!tpu.dma_semaphore, #tpu.memory_space<semaphore_mem>>, %arg16: memref<!tpu.dma_semaphore, #tpu.memory_space<semaphore_mem>>, %arg17: memref<!tpu.dma_semaphore, #tpu.memory_space<semaphore_mem>>, %arg18: memref<!tpu.dma_semaphore, #tpu.memory_space<semaphore_mem>>, %arg19: memref<!tpu.dma_semaphore, #tpu.memory_space<semaphore_mem>>, %arg20: memref<!tpu.dma_semaphore, #tpu.memory_space<semaphore_mem>>, %arg21: memref<!tpu.dma_semaphore, #tpu.memory_space<semaphore_mem>>, %arg22: memref<!tpu.dma_semaphore, #tpu.memory_space<semaphore_mem>>) attributes {dimension_semantics = [#tpu.dimension_semantics<core_parallel>, #tpu.dimension_semantics<subcore_parallel>], iteration_bounds = array<i64: 2, 16>, scalar_prefetch = 0 : i64, scratch_operands = 18 : i64, tpu.core_type = #tpu.core_type<sc_vector_subcore>, window_params = [{transform_indices = #map}, {transform_indices = #map}, {transform_indices = #map}]} {
    %mul3A = arith.constant 16 : i32
    %mul3A_0 = arith.muli %arg0, %mul3A : i32
    %add3A = arith.addi %mul3A_0, %arg1 : i32
    %mul3A_1 = arith.constant 256 : i32
    %mul3A_2 = arith.muli %add3A, %mul3A_1 : i32
    %add3A_3 = arith.constant 0 : i32
    %add3A_4 = arith.addi %add3A_3, %mul3A_2 : i32
    %eq3A = arith.constant 0 : i32
    %eq3A_5 = arith.cmpi eq, %arg1, %eq3A : i32
    %convert_element_type3A = arith.extui %eq3A_5 : i1 to i32
    %cond3A = arith.constant 0 : i32
    %cond3A_6 = arith.cmpi ne, %convert_element_type3A, %cond3A : i32
    scf.if %cond3A_6 {
      "tpu.region"() ({
        %run_scoped3A = tpu.sem_alloc : memref<!tpu.dma_semaphore, #tpu.memory_space<semaphore_mem>>
        tpu.enqueue_dma source(%arg2 : memref<352x128xf32, #tpu.memory_space<hbm>>) target(%arg5 : memref<352x128xf32, #tpu.memory_space<vmem_shared>>) target_semaphore(%run_scoped3A : memref<!tpu.dma_semaphore, #tpu.memory_space<semaphore_mem>>)
        tpu.wait_dma2 semaphore(%run_scoped3A : memref<!tpu.dma_semaphore, #tpu.memory_space<semaphore_mem>>) src(%arg2 : memref<352x128xf32, #tpu.memory_space<hbm>>) dst(%arg5 : memref<352x128xf32, #tpu.memory_space<vmem_shared>>)
        tpu.yield
      }) : () -> ()
    } else {
    }
    %dma_start3A = arith.constant 0 : i32
    %dma_start3A_7 = tpu.memref_slice %arg3[%dma_start3A, %add3A_4] : memref<8x16384xi32, #tpu.memory_space<hbm>> -> memref<1x256xi32, #tpu.memory_space<hbm>>
    %dma_start3A_8 = tpu.memref_squeeze %dma_start3A_7 : memref<1x256xi32, #tpu.memory_space<hbm>> -> memref<256xi32, #tpu.memory_space<hbm>>
    %dma_start3A_9 = tpu.memref_slice %arg3[%dma_start3A, %add3A_4] : memref<8x16384xi32, #tpu.memory_space<hbm>> -> memref<1x256xi32, #tpu.memory_space<hbm>>
    %dma_start3A_10 = tpu.memref_squeeze %dma_start3A_9 : memref<1x256xi32, #tpu.memory_space<hbm>> -> memref<256xi32, #tpu.memory_space<hbm>>
    tpu.enqueue_dma source(%dma_start3A_10 : memref<256xi32, #tpu.memory_space<hbm>>) target(%arg6 : memref<256xi32, #tpu.memory_space<vmem>>) target_semaphore(%arg15 : memref<!tpu.dma_semaphore, #tpu.memory_space<semaphore_mem>>)
    %dma_start3A_11 = arith.constant 1 : i32
    %dma_start3A_12 = tpu.memref_slice %arg3[%dma_start3A_11, %add3A_4] : memref<8x16384xi32, #tpu.memory_space<hbm>> -> memref<1x256xi32, #tpu.memory_space<hbm>>
    %dma_start3A_13 = tpu.memref_squeeze %dma_start3A_12 : memref<1x256xi32, #tpu.memory_space<hbm>> -> memref<256xi32, #tpu.memory_space<hbm>>
    %dma_start3A_14 = tpu.memref_slice %arg3[%dma_start3A_11, %add3A_4] : memref<8x16384xi32, #tpu.memory_space<hbm>> -> memref<1x256xi32, #tpu.memory_space<hbm>>
    %dma_start3A_15 = tpu.memref_squeeze %dma_start3A_14 : memref<1x256xi32, #tpu.memory_space<hbm>> -> memref<256xi32, #tpu.memory_space<hbm>>
    tpu.enqueue_dma source(%dma_start3A_15 : memref<256xi32, #tpu.memory_space<hbm>>) target(%arg7 : memref<256xi32, #tpu.memory_space<vmem>>) target_semaphore(%arg16 : memref<!tpu.dma_semaphore, #tpu.memory_space<semaphore_mem>>)
    %dma_start3A_16 = arith.constant 2 : i32
    %dma_start3A_17 = tpu.memref_slice %arg3[%dma_start3A_16, %add3A_4] : memref<8x16384xi32, #tpu.memory_space<hbm>> -> memref<1x256xi32, #tpu.memory_space<hbm>>
    %dma_start3A_18 = tpu.memref_squeeze %dma_start3A_17 : memref<1x256xi32, #tpu.memory_space<hbm>> -> memref<256xi32, #tpu.memory_space<hbm>>
    %dma_start3A_19 = tpu.memref_slice %arg3[%dma_start3A_16, %add3A_4] : memref<8x16384xi32, #tpu.memory_space<hbm>> -> memref<1x256xi32, #tpu.memory_space<hbm>>
    %dma_start3A_20 = tpu.memref_squeeze %dma_start3A_19 : memref<1x256xi32, #tpu.memory_space<hbm>> -> memref<256xi32, #tpu.memory_space<hbm>>
    tpu.enqueue_dma source(%dma_start3A_20 : memref<256xi32, #tpu.memory_space<hbm>>) target(%arg8 : memref<256xi32, #tpu.memory_space<vmem>>) target_semaphore(%arg17 : memref<!tpu.dma_semaphore, #tpu.memory_space<semaphore_mem>>)
    %dma_wait3A = arith.constant 0 : i32
    %dma_wait3A_21 = tpu.memref_slice %arg3[%dma_wait3A, %add3A_4] : memref<8x16384xi32, #tpu.memory_space<hbm>> -> memref<1x256xi32, #tpu.memory_space<hbm>>
    %dma_wait3A_22 = tpu.memref_squeeze %dma_wait3A_21 : memref<1x256xi32, #tpu.memory_space<hbm>> -> memref<256xi32, #tpu.memory_space<hbm>>
    %dma_wait3A_23 = tpu.memref_slice %arg3[%dma_wait3A, %add3A_4] : memref<8x16384xi32, #tpu.memory_space<hbm>> -> memref<1x256xi32, #tpu.memory_space<hbm>>
    %dma_wait3A_24 = tpu.memref_squeeze %dma_wait3A_23 : memref<1x256xi32, #tpu.memory_space<hbm>> -> memref<256xi32, #tpu.memory_space<hbm>>
    tpu.wait_dma2 semaphore(%arg15 : memref<!tpu.dma_semaphore, #tpu.memory_space<semaphore_mem>>) src(%dma_wait3A_24 : memref<256xi32, #tpu.memory_space<hbm>>) dst(%arg6 : memref<256xi32, #tpu.memory_space<vmem>>)
    %dma_wait3A_25 = arith.constant 1 : i32
    %dma_wait3A_26 = tpu.memref_slice %arg3[%dma_wait3A_25, %add3A_4] : memref<8x16384xi32, #tpu.memory_space<hbm>> -> memref<1x256xi32, #tpu.memory_space<hbm>>
    %dma_wait3A_27 = tpu.memref_squeeze %dma_wait3A_26 : memref<1x256xi32, #tpu.memory_space<hbm>> -> memref<256xi32, #tpu.memory_space<hbm>>
    %dma_wait3A_28 = tpu.memref_slice %arg3[%dma_wait3A_25, %add3A_4] : memref<8x16384xi32, #tpu.memory_space<hbm>> -> memref<1x256xi32, #tpu.memory_space<hbm>>
    %dma_wait3A_29 = tpu.memref_squeeze %dma_wait3A_28 : memref<1x256xi32, #tpu.memory_space<hbm>> -> memref<256xi32, #tpu.memory_space<hbm>>
    tpu.wait_dma2 semaphore(%arg16 : memref<!tpu.dma_semaphore, #tpu.memory_space<semaphore_mem>>) src(%dma_wait3A_29 : memref<256xi32, #tpu.memory_space<hbm>>) dst(%arg7 : memref<256xi32, #tpu.memory_space<vmem>>)
    %dma_wait3A_30 = arith.constant 2 : i32
    %dma_wait3A_31 = tpu.memref_slice %arg3[%dma_wait3A_30, %add3A_4] : memref<8x16384xi32, #tpu.memory_space<hbm>> -> memref<1x256xi32, #tpu.memory_space<hbm>>
    %dma_wait3A_32 = tpu.memref_squeeze %dma_wait3A_31 : memref<1x256xi32, #tpu.memory_space<hbm>> -> memref<256xi32, #tpu.memory_space<hbm>>
    %dma_wait3A_33 = tpu.memref_slice %arg3[%dma_wait3A_30, %add3A_4] : memref<8x16384xi32, #tpu.memory_space<hbm>> -> memref<1x256xi32, #tpu.memory_space<hbm>>
    %dma_wait3A_34 = tpu.memref_squeeze %dma_wait3A_33 : memref<1x256xi32, #tpu.memory_space<hbm>> -> memref<256xi32, #tpu.memory_space<hbm>>
    tpu.wait_dma2 semaphore(%arg17 : memref<!tpu.dma_semaphore, #tpu.memory_space<semaphore_mem>>) src(%dma_wait3A_34 : memref<256xi32, #tpu.memory_space<hbm>>) dst(%arg8 : memref<256xi32, #tpu.memory_space<vmem>>)
    %barrier3A = arith.constant 0 : index
    tpu.barrier barrier_id(%barrier3A)
    %dma_start3A_35 = arith.constant 0 : i32
    %dma_start3A_36 = tpu.memref_slice %arg6[%dma_start3A_35] : memref<256xi32, #tpu.memory_space<vmem>> -> memref<128xi32, #tpu.memory_space<vmem>>
    %dma_start3A_37 = arith.constant 0 : i32
    %dma_start3A_38 = arith.constant 0 : i32
    %dma_start3A_39 = tpu.memref_slice %arg5[%dma_start3A_37, %dma_start3A_38] : memref<352x128xf32, #tpu.memory_space<vmem_shared>> -> memref<352x128xf32, #tpu.memory_space<vmem_shared>>
    tpu.enqueue_indirect_dma source(%dma_start3A_39 : memref<352x128xf32, #tpu.memory_space<vmem_shared>>) target(%arg9 : memref<128x128xf32, #tpu.memory_space<vmem>>) offsets(%dma_start3A_36 : memref<128xi32, #tpu.memory_space<vmem>>) semaphore(%arg15 : memref<!tpu.dma_semaphore, #tpu.memory_space<semaphore_mem>>)
    %dma_start3A_40 = arith.constant 0 : i32
    %dma_start3A_41 = tpu.memref_slice %arg7[%dma_start3A_40] : memref<256xi32, #tpu.memory_space<vmem>> -> memref<128xi32, #tpu.memory_space<vmem>>
    %dma_start3A_42 = arith.constant 0 : i32
    %dma_start3A_43 = arith.constant 0 : i32
    %dma_start3A_44 = tpu.memref_slice %arg5[%dma_start3A_42, %dma_start3A_43] : memref<352x128xf32, #tpu.memory_space<vmem_shared>> -> memref<352x128xf32, #tpu.memory_space<vmem_shared>>
    tpu.enqueue_indirect_dma source(%dma_start3A_44 : memref<352x128xf32, #tpu.memory_space<vmem_shared>>) target(%arg10 : memref<128x128xf32, #tpu.memory_space<vmem>>) offsets(%dma_start3A_41 : memref<128xi32, #tpu.memory_space<vmem>>) semaphore(%arg16 : memref<!tpu.dma_semaphore, #tpu.memory_space<semaphore_mem>>)
    %dma_start3A_45 = arith.constant 0 : i32
    %dma_start3A_46 = tpu.memref_slice %arg8[%dma_start3A_45] : memref<256xi32, #tpu.memory_space<vmem>> -> memref<128xi32, #tpu.memory_space<vmem>>
    %dma_start3A_47 = arith.constant 0 : i32
    %dma_start3A_48 = arith.constant 0 : i32
    %dma_start3A_49 = tpu.memref_slice %arg5[%dma_start3A_47, %dma_start3A_48] : memref<352x128xf32, #tpu.memory_space<vmem_shared>> -> memref<352x128xf32, #tpu.memory_space<vmem_shared>>
    tpu.enqueue_indirect_dma source(%dma_start3A_49 : memref<352x128xf32, #tpu.memory_space<vmem_shared>>) target(%arg11 : memref<128x128xf32, #tpu.memory_space<vmem>>) offsets(%dma_start3A_46 : memref<128xi32, #tpu.memory_space<vmem>>) semaphore(%arg17 : memref<!tpu.dma_semaphore, #tpu.memory_space<semaphore_mem>>)
    %dma_wait3A_50 = arith.constant 0 : i32
    %dma_wait3A_51 = tpu.memref_slice %arg6[%dma_wait3A_50] : memref<256xi32, #tpu.memory_space<vmem>> -> memref<128xi32, #tpu.memory_space<vmem>>
    %dma_wait3A_52 = arith.constant 0 : i32
    %dma_wait3A_53 = arith.constant 0 : i32
    %dma_wait3A_54 = tpu.memref_slice %arg5[%dma_wait3A_52, %dma_wait3A_53] : memref<352x128xf32, #tpu.memory_space<vmem_shared>> -> memref<352x128xf32, #tpu.memory_space<vmem_shared>>
    tpu.wait_indirect_dma semaphore(%arg15 : memref<!tpu.dma_semaphore, #tpu.memory_space<semaphore_mem>>) src(%dma_wait3A_54 : memref<352x128xf32, #tpu.memory_space<vmem_shared>>) dst(%arg9 : memref<128x128xf32, #tpu.memory_space<vmem>>)
    %dma_wait3A_55 = arith.constant 0 : i32
    %dma_wait3A_56 = tpu.memref_slice %arg7[%dma_wait3A_55] : memref<256xi32, #tpu.memory_space<vmem>> -> memref<128xi32, #tpu.memory_space<vmem>>
    %dma_wait3A_57 = arith.constant 0 : i32
    %dma_wait3A_58 = arith.constant 0 : i32
    %dma_wait3A_59 = tpu.memref_slice %arg5[%dma_wait3A_57, %dma_wait3A_58] : memref<352x128xf32, #tpu.memory_space<vmem_shared>> -> memref<352x128xf32, #tpu.memory_space<vmem_shared>>
    tpu.wait_indirect_dma semaphore(%arg16 : memref<!tpu.dma_semaphore, #tpu.memory_space<semaphore_mem>>) src(%dma_wait3A_59 : memref<352x128xf32, #tpu.memory_space<vmem_shared>>) dst(%arg10 : memref<128x128xf32, #tpu.memory_space<vmem>>)
    %dma_wait3A_60 = arith.constant 0 : i32
    %dma_wait3A_61 = tpu.memref_slice %arg8[%dma_wait3A_60] : memref<256xi32, #tpu.memory_space<vmem>> -> memref<128xi32, #tpu.memory_space<vmem>>
    %dma_wait3A_62 = arith.constant 0 : i32
    %dma_wait3A_63 = arith.constant 0 : i32
    %dma_wait3A_64 = tpu.memref_slice %arg5[%dma_wait3A_62, %dma_wait3A_63] : memref<352x128xf32, #tpu.memory_space<vmem_shared>> -> memref<352x128xf32, #tpu.memory_space<vmem_shared>>
    tpu.wait_indirect_dma semaphore(%arg17 : memref<!tpu.dma_semaphore, #tpu.memory_space<semaphore_mem>>) src(%dma_wait3A_64 : memref<352x128xf32, #tpu.memory_space<vmem_shared>>) dst(%arg11 : memref<128x128xf32, #tpu.memory_space<vmem>>)
    %dma_start3A_65 = arith.constant 128 : i32
    %dma_start3A_66 = tpu.memref_slice %arg6[%dma_start3A_65] : memref<256xi32, #tpu.memory_space<vmem>> -> memref<128xi32, #tpu.memory_space<vmem>>
    %dma_start3A_67 = arith.constant 0 : i32
    %dma_start3A_68 = arith.constant 0 : i32
    %dma_start3A_69 = tpu.memref_slice %arg5[%dma_start3A_67, %dma_start3A_68] : memref<352x128xf32, #tpu.memory_space<vmem_shared>> -> memref<352x128xf32, #tpu.memory_space<vmem_shared>>
    tpu.enqueue_indirect_dma source(%dma_start3A_69 : memref<352x128xf32, #tpu.memory_space<vmem_shared>>) target(%arg12 : memref<128x128xf32, #tpu.memory_space<vmem>>) offsets(%dma_start3A_66 : memref<128xi32, #tpu.memory_space<vmem>>) semaphore(%arg18 : memref<!tpu.dma_semaphore, #tpu.memory_space<semaphore_mem>>)
    %dma_start3A_70 = arith.constant 128 : i32
    %dma_start3A_71 = tpu.memref_slice %arg7[%dma_start3A_70] : memref<256xi32, #tpu.memory_space<vmem>> -> memref<128xi32, #tpu.memory_space<vmem>>
    %dma_start3A_72 = arith.constant 0 : i32
    %dma_start3A_73 = arith.constant 0 : i32
    %dma_start3A_74 = tpu.memref_slice %arg5[%dma_start3A_72, %dma_start3A_73] : memref<352x128xf32, #tpu.memory_space<vmem_shared>> -> memref<352x128xf32, #tpu.memory_space<vmem_shared>>
    tpu.enqueue_indirect_dma source(%dma_start3A_74 : memref<352x128xf32, #tpu.memory_space<vmem_shared>>) target(%arg13 : memref<128x128xf32, #tpu.memory_space<vmem>>) offsets(%dma_start3A_71 : memref<128xi32, #tpu.memory_space<vmem>>) semaphore(%arg19 : memref<!tpu.dma_semaphore, #tpu.memory_space<semaphore_mem>>)
    %dma_start3A_75 = arith.constant 128 : i32
    %dma_start3A_76 = tpu.memref_slice %arg8[%dma_start3A_75] : memref<256xi32, #tpu.memory_space<vmem>> -> memref<128xi32, #tpu.memory_space<vmem>>
    %dma_start3A_77 = arith.constant 0 : i32
    %dma_start3A_78 = arith.constant 0 : i32
    %dma_start3A_79 = tpu.memref_slice %arg5[%dma_start3A_77, %dma_start3A_78] : memref<352x128xf32, #tpu.memory_space<vmem_shared>> -> memref<352x128xf32, #tpu.memory_space<vmem_shared>>
    tpu.enqueue_indirect_dma source(%dma_start3A_79 : memref<352x128xf32, #tpu.memory_space<vmem_shared>>) target(%arg14 : memref<128x128xf32, #tpu.memory_space<vmem>>) offsets(%dma_start3A_76 : memref<128xi32, #tpu.memory_space<vmem>>) semaphore(%arg20 : memref<!tpu.dma_semaphore, #tpu.memory_space<semaphore_mem>>)
    %scan3A = arith.constant 0 : i32
    %scan3A_80 = arith.constant 128 : i32
    %scan3A_81 = arith.addi %scan3A, %scan3A_80 : i32
    %scan3A_82 = arith.constant 1 : i32
    scf.for %scan3A_128 = %scan3A to %scan3A_81 step %scan3A_82  : i32 {
      %mul3A_129 = arith.constant 1 : i32
      %mul3A_130 = arith.muli %scan3A_128, %mul3A_129 : i32
      %add3A_131 = arith.constant 0 : i32
      %add3A_132 = arith.addi %add3A_131, %mul3A_130 : i32
      %get3A = arith.index_cast %add3A_132 : i32 to index
      %get3A_133 = arith.constant 0 : index
      %get3A_134 = tpu.vector_load %arg9[%get3A, %get3A_133] {strides = array<i32>} : memref<128x128xf32, #tpu.memory_space<vmem>>, vector<16xf32>,
      %get3A_135 = arith.index_cast %add3A_132 : i32 to index
      %get3A_136 = arith.constant 0 : index
      %get3A_137 = tpu.vector_load %arg10[%get3A_135, %get3A_136] {strides = array<i32>} : memref<128x128xf32, #tpu.memory_space<vmem>>, vector<16xf32>,
      %add3A_138 = arith.addf %get3A_134, %get3A_137 : vector<16xf32>
      %get3A_139 = arith.index_cast %add3A_132 : i32 to index
      %get3A_140 = arith.constant 0 : index
      %get3A_141 = tpu.vector_load %arg11[%get3A_139, %get3A_140] {strides = array<i32>} : memref<128x128xf32, #tpu.memory_space<vmem>>, vector<16xf32>,
      %add3A_142 = arith.addf %add3A_138, %get3A_141 : vector<16xf32>
      %swap3A = arith.index_cast %add3A_132 : i32 to index
      %swap3A_143 = arith.constant 0 : index
      %swap3A_144 = tpu.vector_load %arg9[%swap3A, %swap3A_143] {strides = array<i32>} : memref<128x128xf32, #tpu.memory_space<vmem>>, vector<16xf32>,
      tpu.vector_store %arg9[%swap3A, %swap3A_143], %add3A_142 {strides = array<i32>} : memref<128x128xf32, #tpu.memory_space<vmem>>, vector<16xf32>,
      %get3A_145 = arith.index_cast %add3A_132 : i32 to index
      %get3A_146 = arith.constant 16 : index
      %get3A_147 = tpu.vector_load %arg9[%get3A_145, %get3A_146] {strides = array<i32>} : memref<128x128xf32, #tpu.memory_space<vmem>>, vector<16xf32>,
      %get3A_148 = arith.index_cast %add3A_132 : i32 to index
      %get3A_149 = arith.constant 16 : index
      %get3A_150 = tpu.vector_load %arg10[%get3A_148, %get3A_149] {strides = array<i32>} : memref<128x128xf32, #tpu.memory_space<vmem>>, vector<16xf32>,
      %add3A_151 = arith.addf %get3A_147, %get3A_150 : vector<16xf32>
      %get3A_152 = arith.index_cast %add3A_132 : i32 to index
      %get3A_153 = arith.constant 16 : index
      %get3A_154 = tpu.vector_load %arg11[%get3A_152, %get3A_153] {strides = array<i32>} : memref<128x128xf32, #tpu.memory_space<vmem>>, vector<16xf32>,
      %add3A_155 = arith.addf %add3A_151, %get3A_154 : vector<16xf32>
      %swap3A_156 = arith.index_cast %add3A_132 : i32 to index
      %swap3A_157 = arith.constant 16 : index
      %swap3A_158 = tpu.vector_load %arg9[%swap3A_156, %swap3A_157] {strides = array<i32>} : memref<128x128xf32, #tpu.memory_space<vmem>>, vector<16xf32>,
      tpu.vector_store %arg9[%swap3A_156, %swap3A_157], %add3A_155 {strides = array<i32>} : memref<128x128xf32, #tpu.memory_space<vmem>>, vector<16xf32>,
      %get3A_159 = arith.index_cast %add3A_132 : i32 to index
      %get3A_160 = arith.constant 32 : index
      %get3A_161 = tpu.vector_load %arg9[%get3A_159, %get3A_160] {strides = array<i32>} : memref<128x128xf32, #tpu.memory_space<vmem>>, vector<16xf32>,
      %get3A_162 = arith.index_cast %add3A_132 : i32 to index
      %get3A_163 = arith.constant 32 : index
      %get3A_164 = tpu.vector_load %arg10[%get3A_162, %get3A_163] {strides = array<i32>} : memref<128x128xf32, #tpu.memory_space<vmem>>, vector<16xf32>,
      %add3A_165 = arith.addf %get3A_161, %get3A_164 : vector<16xf32>
      %get3A_166 = arith.index_cast %add3A_132 : i32 to index
      %get3A_167 = arith.constant 32 : index
      %get3A_168 = tpu.vector_load %arg11[%get3A_166, %get3A_167] {strides = array<i32>} : memref<128x128xf32, #tpu.memory_space<vmem>>, vector<16xf32>,
      %add3A_169 = arith.addf %add3A_165, %get3A_168 : vector<16xf32>
      %swap3A_170 = arith.index_cast %add3A_132 : i32 to index
      %swap3A_171 = arith.constant 32 : index
      %swap3A_172 = tpu.vector_load %arg9[%swap3A_170, %swap3A_171] {strides = array<i32>} : memref<128x128xf32, #tpu.memory_space<vmem>>, vector<16xf32>,
      tpu.vector_store %arg9[%swap3A_170, %swap3A_171], %add3A_169 {strides = array<i32>} : memref<128x128xf32, #tpu.memory_space<vmem>>, vector<16xf32>,
      %get3A_173 = arith.index_cast %add3A_132 : i32 to index
      %get3A_174 = arith.constant 48 : index
      %get3A_175 = tpu.vector_load %arg9[%get3A_173, %get3A_174] {strides = array<i32>} : memref<128x128xf32, #tpu.memory_space<vmem>>, vector<16xf32>,
      %get3A_176 = arith.index_cast %add3A_132 : i32 to index
      %get3A_177 = arith.constant 48 : index
      %get3A_178 = tpu.vector_load %arg10[%get3A_176, %get3A_177] {strides = array<i32>} : memref<128x128xf32, #tpu.memory_space<vmem>>, vector<16xf32>,
      %add3A_179 = arith.addf %get3A_175, %get3A_178 : vector<16xf32>
      %get3A_180 = arith.index_cast %add3A_132 : i32 to index
      %get3A_181 = arith.constant 48 : index
      %get3A_182 = tpu.vector_load %arg11[%get3A_180, %get3A_181] {strides = array<i32>} : memref<128x128xf32, #tpu.memory_space<vmem>>, vector<16xf32>,
      %add3A_183 = arith.addf %add3A_179, %get3A_182 : vector<16xf32>
      %swap3A_184 = arith.index_cast %add3A_132 : i32 to index
      %swap3A_185 = arith.constant 48 : index
      %swap3A_186 = tpu.vector_load %arg9[%swap3A_184, %swap3A_185] {strides = array<i32>} : memref<128x128xf32, #tpu.memory_space<vmem>>, vector<16xf32>,
      tpu.vector_store %arg9[%swap3A_184, %swap3A_185], %add3A_183 {strides = array<i32>} : memref<128x128xf32, #tpu.memory_space<vmem>>, vector<16xf32>,
      %get3A_187 = arith.index_cast %add3A_132 : i32 to index
      %get3A_188 = arith.constant 64 : index
      %get3A_189 = tpu.vector_load %arg9[%get3A_187, %get3A_188] {strides = array<i32>} : memref<128x128xf32, #tpu.memory_space<vmem>>, vector<16xf32>,
      %get3A_190 = arith.index_cast %add3A_132 : i32 to index
      %get3A_191 = arith.constant 64 : index
      %get3A_192 = tpu.vector_load %arg10[%get3A_190, %get3A_191] {strides = array<i32>} : memref<128x128xf32, #tpu.memory_space<vmem>>, vector<16xf32>,
      %add3A_193 = arith.addf %get3A_189, %get3A_192 : vector<16xf32>
      %get3A_194 = arith.index_cast %add3A_132 : i32 to index
      %get3A_195 = arith.constant 64 : index
      %get3A_196 = tpu.vector_load %arg11[%get3A_194, %get3A_195] {strides = array<i32>} : memref<128x128xf32, #tpu.memory_space<vmem>>, vector<16xf32>,
      %add3A_197 = arith.addf %add3A_193, %get3A_196 : vector<16xf32>
      %swap3A_198 = arith.index_cast %add3A_132 : i32 to index
      %swap3A_199 = arith.constant 64 : index
      %swap3A_200 = tpu.vector_load %arg9[%swap3A_198, %swap3A_199] {strides = array<i32>} : memref<128x128xf32, #tpu.memory_space<vmem>>, vector<16xf32>,
      tpu.vector_store %arg9[%swap3A_198, %swap3A_199], %add3A_197 {strides = array<i32>} : memref<128x128xf32, #tpu.memory_space<vmem>>, vector<16xf32>,
      %get3A_201 = arith.index_cast %add3A_132 : i32 to index
      %get3A_202 = arith.constant 80 : index
      %get3A_203 = tpu.vector_load %arg9[%get3A_201, %get3A_202] {strides = array<i32>} : memref<128x128xf32, #tpu.memory_space<vmem>>, vector<16xf32>,
      %get3A_204 = arith.index_cast %add3A_132 : i32 to index
      %get3A_205 = arith.constant 80 : index
      %get3A_206 = tpu.vector_load %arg10[%get3A_204, %get3A_205] {strides = array<i32>} : memref<128x128xf32, #tpu.memory_space<vmem>>, vector<16xf32>,
      %add3A_207 = arith.addf %get3A_203, %get3A_206 : vector<16xf32>
      %get3A_208 = arith.index_cast %add3A_132 : i32 to index
      %get3A_209 = arith.constant 80 : index
      %get3A_210 = tpu.vector_load %arg11[%get3A_208, %get3A_209] {strides = array<i32>} : memref<128x128xf32, #tpu.memory_space<vmem>>, vector<16xf32>,
      %add3A_211 = arith.addf %add3A_207, %get3A_210 : vector<16xf32>
      %swap3A_212 = arith.index_cast %add3A_132 : i32 to index
      %swap3A_213 = arith.constant 80 : index
      %swap3A_214 = tpu.vector_load %arg9[%swap3A_212, %swap3A_213] {strides = array<i32>} : memref<128x128xf32, #tpu.memory_space<vmem>>, vector<16xf32>,
      tpu.vector_store %arg9[%swap3A_212, %swap3A_213], %add3A_211 {strides = array<i32>} : memref<128x128xf32, #tpu.memory_space<vmem>>, vector<16xf32>,
      %get3A_215 = arith.index_cast %add3A_132 : i32 to index
      %get3A_216 = arith.constant 96 : index
      %get3A_217 = tpu.vector_load %arg9[%get3A_215, %get3A_216] {strides = array<i32>} : memref<128x128xf32, #tpu.memory_space<vmem>>, vector<16xf32>,
      %get3A_218 = arith.index_cast %add3A_132 : i32 to index
      %get3A_219 = arith.constant 96 : index
      %get3A_220 = tpu.vector_load %arg10[%get3A_218, %get3A_219] {strides = array<i32>} : memref<128x128xf32, #tpu.memory_space<vmem>>, vector<16xf32>,
      %add3A_221 = arith.addf %get3A_217, %get3A_220 : vector<16xf32>
      %get3A_222 = arith.index_cast %add3A_132 : i32 to index
      %get3A_223 = arith.constant 96 : index
      %get3A_224 = tpu.vector_load %arg11[%get3A_222, %get3A_223] {strides = array<i32>} : memref<128x128xf32, #tpu.memory_space<vmem>>, vector<16xf32>,
      %add3A_225 = arith.addf %add3A_221, %get3A_224 : vector<16xf32>
      %swap3A_226 = arith.index_cast %add3A_132 : i32 to index
      %swap3A_227 = arith.constant 96 : index
      %swap3A_228 = tpu.vector_load %arg9[%swap3A_226, %swap3A_227] {strides = array<i32>} : memref<128x128xf32, #tpu.memory_space<vmem>>, vector<16xf32>,
      tpu.vector_store %arg9[%swap3A_226, %swap3A_227], %add3A_225 {strides = array<i32>} : memref<128x128xf32, #tpu.memory_space<vmem>>, vector<16xf32>,
      %get3A_229 = arith.index_cast %add3A_132 : i32 to index
      %get3A_230 = arith.constant 112 : index
      %get3A_231 = tpu.vector_load %arg9[%get3A_229, %get3A_230] {strides = array<i32>} : memref<128x128xf32, #tpu.memory_space<vmem>>, vector<16xf32>,
      %get3A_232 = arith.index_cast %add3A_132 : i32 to index
      %get3A_233 = arith.constant 112 : index
      %get3A_234 = tpu.vector_load %arg10[%get3A_232, %get3A_233] {strides = array<i32>} : memref<128x128xf32, #tpu.memory_space<vmem>>, vector<16xf32>,
      %add3A_235 = arith.addf %get3A_231, %get3A_234 : vector<16xf32>
      %get3A_236 = arith.index_cast %add3A_132 : i32 to index
      %get3A_237 = arith.constant 112 : index
      %get3A_238 = tpu.vector_load %arg11[%get3A_236, %get3A_237] {strides = array<i32>} : memref<128x128xf32, #tpu.memory_space<vmem>>, vector<16xf32>,
      %add3A_239 = arith.addf %add3A_235, %get3A_238 : vector<16xf32>
      %swap3A_240 = arith.index_cast %add3A_132 : i32 to index
      %swap3A_241 = arith.constant 112 : index
      %swap3A_242 = tpu.vector_load %arg9[%swap3A_240, %swap3A_241] {strides = array<i32>} : memref<128x128xf32, #tpu.memory_space<vmem>>, vector<16xf32>,
      tpu.vector_store %arg9[%swap3A_240, %swap3A_241], %add3A_239 {strides = array<i32>} : memref<128x128xf32, #tpu.memory_space<vmem>>, vector<16xf32>,
    }
    %scan3A_83 = arith.constant 128 : i32
    %mul3A_84 = arith.constant 256 : i32
    %mul3A_85 = arith.muli %add3A, %mul3A_84 : i32
    %add3A_86 = arith.constant 0 : i32
    %add3A_87 = arith.addi %mul3A_85, %add3A_86 : i32
    %dma_start3A_88 = arith.constant 0 : i32
    %dma_start3A_89 = tpu.memref_slice %arg4[%add3A_87, %dma_start3A_88] : memref<8192x128xf32, #tpu.memory_space<hbm>> -> memref<128x128xf32, #tpu.memory_space<hbm>>
    %dma_start3A_90 = arith.constant 0 : i32
    %dma_start3A_91 = tpu.memref_slice %arg4[%add3A_87, %dma_start3A_90] : memref<8192x128xf32, #tpu.memory_space<hbm>> -> memref<128x128xf32, #tpu.memory_space<hbm>>
    tpu.enqueue_dma source(%arg9 : memref<128x128xf32, #tpu.memory_space<vmem>>) target(%dma_start3A_91 : memref<128x128xf32, #tpu.memory_space<hbm>>) target_semaphore(%arg21 : memref<!tpu.dma_semaphore, #tpu.memory_space<semaphore_mem>>)
    %dma_wait3A_92 = arith.constant 128 : i32
    %dma_wait3A_93 = tpu.memref_slice %arg6[%dma_wait3A_92] : memref<256xi32, #tpu.memory_space<vmem>> -> memref<128xi32, #tpu.memory_space<vmem>>
    %dma_wait3A_94 = arith.constant 0 : i32
    %dma_wait3A_95 = arith.constant 0 : i32
    %dma_wait3A_96 = tpu.memref_slice %arg5[%dma_wait3A_94, %dma_wait3A_95] : memref<352x128xf32, #tpu.memory_space<vmem_shared>> -> memref<352x128xf32, #tpu.memory_space<vmem_shared>>
    tpu.wait_indirect_dma semaphore(%arg18 : memref<!tpu.dma_semaphore, #tpu.memory_space<semaphore_mem>>) src(%dma_wait3A_96 : memref<352x128xf32, #tpu.memory_space<vmem_shared>>) dst(%arg12 : memref<128x128xf32, #tpu.memory_space<vmem>>)
    %dma_wait3A_97 = arith.constant 128 : i32
    %dma_wait3A_98 = tpu.memref_slice %arg7[%dma_wait3A_97] : memref<256xi32, #tpu.memory_space<vmem>> -> memref<128xi32, #tpu.memory_space<vmem>>
    %dma_wait3A_99 = arith.constant 0 : i32
    %dma_wait3A_100 = arith.constant 0 : i32
    %dma_wait3A_101 = tpu.memref_slice %arg5[%dma_wait3A_99, %dma_wait3A_100] : memref<352x128xf32, #tpu.memory_space<vmem_shared>> -> memref<352x128xf32, #tpu.memory_space<vmem_shared>>
    tpu.wait_indirect_dma semaphore(%arg19 : memref<!tpu.dma_semaphore, #tpu.memory_space<semaphore_mem>>) src(%dma_wait3A_101 : memref<352x128xf32, #tpu.memory_space<vmem_shared>>) dst(%arg13 : memref<128x128xf32, #tpu.memory_space<vmem>>)
    %dma_wait3A_102 = arith.constant 128 : i32
    %dma_wait3A_103 = tpu.memref_slice %arg8[%dma_wait3A_102] : memref<256xi32, #tpu.memory_space<vmem>> -> memref<128xi32, #tpu.memory_space<vmem>>
    %dma_wait3A_104 = arith.constant 0 : i32
    %dma_wait3A_105 = arith.constant 0 : i32
    %dma_wait3A_106 = tpu.memref_slice %arg5[%dma_wait3A_104, %dma_wait3A_105] : memref<352x128xf32, #tpu.memory_space<vmem_shared>> -> memref<352x128xf32, #tpu.memory_space<vmem_shared>>
    tpu.wait_indirect_dma semaphore(%arg20 : memref<!tpu.dma_semaphore, #tpu.memory_space<semaphore_mem>>) src(%dma_wait3A_106 : memref<352x128xf32, #tpu.memory_space<vmem_shared>>) dst(%arg14 : memref<128x128xf32, #tpu.memory_space<vmem>>)
    %scan3A_107 = arith.constant 0 : i32
    %scan3A_108 = arith.constant 128 : i32
    %scan3A_109 = arith.addi %scan3A_107, %scan3A_108 : i32
    %scan3A_110 = arith.constant 1 : i32
    scf.for %scan3A_128 = %scan3A_107 to %scan3A_109 step %scan3A_110  : i32 {
      %mul3A_129 = arith.constant 1 : i32
      %mul3A_130 = arith.muli %scan3A_128, %mul3A_129 : i32
      %add3A_131 = arith.constant 0 : i32
      %add3A_132 = arith.addi %add3A_131, %mul3A_130 : i32
      %get3A = arith.index_cast %add3A_132 : i32 to index
      %get3A_133 = arith.constant 0 : index
      %get3A_134 = tpu.vector_load %arg12[%get3A, %get3A_133] {strides = array<i32>} : memref<128x128xf32, #tpu.memory_space<vmem>>, vector<16xf32>,
      %get3A_135 = arith.index_cast %add3A_132 : i32 to index
      %get3A_136 = arith.constant 0 : index
      %get3A_137 = tpu.vector_load %arg13[%get3A_135, %get3A_136] {strides = array<i32>} : memref<128x128xf32, #tpu.memory_space<vmem>>, vector<16xf32>,
      %add3A_138 = arith.addf %get3A_134, %get3A_137 : vector<16xf32>
      %get3A_139 = arith.index_cast %add3A_132 : i32 to index
      %get3A_140 = arith.constant 0 : index
      %get3A_141 = tpu.vector_load %arg14[%get3A_139, %get3A_140] {strides = array<i32>} : memref<128x128xf32, #tpu.memory_space<vmem>>, vector<16xf32>,
      %add3A_142 = arith.addf %add3A_138, %get3A_141 : vector<16xf32>
      %swap3A = arith.index_cast %add3A_132 : i32 to index
      %swap3A_143 = arith.constant 0 : index
      %swap3A_144 = tpu.vector_load %arg12[%swap3A, %swap3A_143] {strides = array<i32>} : memref<128x128xf32, #tpu.memory_space<vmem>>, vector<16xf32>,
      tpu.vector_store %arg12[%swap3A, %swap3A_143], %add3A_142 {strides = array<i32>} : memref<128x128xf32, #tpu.memory_space<vmem>>, vector<16xf32>,
      %get3A_145 = arith.index_cast %add3A_132 : i32 to index
      %get3A_146 = arith.constant 16 : index
      %get3A_147 = tpu.vector_load %arg12[%get3A_145, %get3A_146] {strides = array<i32>} : memref<128x128xf32, #tpu.memory_space<vmem>>, vector<16xf32>,
      %get3A_148 = arith.index_cast %add3A_132 : i32 to index
      %get3A_149 = arith.constant 16 : index
      %get3A_150 = tpu.vector_load %arg13[%get3A_148, %get3A_149] {strides = array<i32>} : memref<128x128xf32, #tpu.memory_space<vmem>>, vector<16xf32>,
      %add3A_151 = arith.addf %get3A_147, %get3A_150 : vector<16xf32>
      %get3A_152 = arith.index_cast %add3A_132 : i32 to index
      %get3A_153 = arith.constant 16 : index
      %get3A_154 = tpu.vector_load %arg14[%get3A_152, %get3A_153] {strides = array<i32>} : memref<128x128xf32, #tpu.memory_space<vmem>>, vector<16xf32>,
      %add3A_155 = arith.addf %add3A_151, %get3A_154 : vector<16xf32>
      %swap3A_156 = arith.index_cast %add3A_132 : i32 to index
      %swap3A_157 = arith.constant 16 : index
      %swap3A_158 = tpu.vector_load %arg12[%swap3A_156, %swap3A_157] {strides = array<i32>} : memref<128x128xf32, #tpu.memory_space<vmem>>, vector<16xf32>,
      tpu.vector_store %arg12[%swap3A_156, %swap3A_157], %add3A_155 {strides = array<i32>} : memref<128x128xf32, #tpu.memory_space<vmem>>, vector<16xf32>,
      %get3A_159 = arith.index_cast %add3A_132 : i32 to index
      %get3A_160 = arith.constant 32 : index
      %get3A_161 = tpu.vector_load %arg12[%get3A_159, %get3A_160] {strides = array<i32>} : memref<128x128xf32, #tpu.memory_space<vmem>>, vector<16xf32>,
      %get3A_162 = arith.index_cast %add3A_132 : i32 to index
      %get3A_163 = arith.constant 32 : index
      %get3A_164 = tpu.vector_load %arg13[%get3A_162, %get3A_163] {strides = array<i32>} : memref<128x128xf32, #tpu.memory_space<vmem>>, vector<16xf32>,
      %add3A_165 = arith.addf %get3A_161, %get3A_164 : vector<16xf32>
      %get3A_166 = arith.index_cast %add3A_132 : i32 to index
      %get3A_167 = arith.constant 32 : index
      %get3A_168 = tpu.vector_load %arg14[%get3A_166, %get3A_167] {strides = array<i32>} : memref<128x128xf32, #tpu.memory_space<vmem>>, vector<16xf32>,
      %add3A_169 = arith.addf %add3A_165, %get3A_168 : vector<16xf32>
      %swap3A_170 = arith.index_cast %add3A_132 : i32 to index
      %swap3A_171 = arith.constant 32 : index
      %swap3A_172 = tpu.vector_load %arg12[%swap3A_170, %swap3A_171] {strides = array<i32>} : memref<128x128xf32, #tpu.memory_space<vmem>>, vector<16xf32>,
      tpu.vector_store %arg12[%swap3A_170, %swap3A_171], %add3A_169 {strides = array<i32>} : memref<128x128xf32, #tpu.memory_space<vmem>>, vector<16xf32>,
      %get3A_173 = arith.index_cast %add3A_132 : i32 to index
      %get3A_174 = arith.constant 48 : index
      %get3A_175 = tpu.vector_load %arg12[%get3A_173, %get3A_174] {strides = array<i32>} : memref<128x128xf32, #tpu.memory_space<vmem>>, vector<16xf32>,
      %get3A_176 = arith.index_cast %add3A_132 : i32 to index
      %get3A_177 = arith.constant 48 : index
      %get3A_178 = tpu.vector_load %arg13[%get3A_176, %get3A_177] {strides = array<i32>} : memref<128x128xf32, #tpu.memory_space<vmem>>, vector<16xf32>,
      %add3A_179 = arith.addf %get3A_175, %get3A_178 : vector<16xf32>
      %get3A_180 = arith.index_cast %add3A_132 : i32 to index
      %get3A_181 = arith.constant 48 : index
      %get3A_182 = tpu.vector_load %arg14[%get3A_180, %get3A_181] {strides = array<i32>} : memref<128x128xf32, #tpu.memory_space<vmem>>, vector<16xf32>,
      %add3A_183 = arith.addf %add3A_179, %get3A_182 : vector<16xf32>
      %swap3A_184 = arith.index_cast %add3A_132 : i32 to index
      %swap3A_185 = arith.constant 48 : index
      %swap3A_186 = tpu.vector_load %arg12[%swap3A_184, %swap3A_185] {strides = array<i32>} : memref<128x128xf32, #tpu.memory_space<vmem>>, vector<16xf32>,
      tpu.vector_store %arg12[%swap3A_184, %swap3A_185], %add3A_183 {strides = array<i32>} : memref<128x128xf32, #tpu.memory_space<vmem>>, vector<16xf32>,
      %get3A_187 = arith.index_cast %add3A_132 : i32 to index
      %get3A_188 = arith.constant 64 : index
      %get3A_189 = tpu.vector_load %arg12[%get3A_187, %get3A_188] {strides = array<i32>} : memref<128x128xf32, #tpu.memory_space<vmem>>, vector<16xf32>,
      %get3A_190 = arith.index_cast %add3A_132 : i32 to index
      %get3A_191 = arith.constant 64 : index
      %get3A_192 = tpu.vector_load %arg13[%get3A_190, %get3A_191] {strides = array<i32>} : memref<128x128xf32, #tpu.memory_space<vmem>>, vector<16xf32>,
      %add3A_193 = arith.addf %get3A_189, %get3A_192 : vector<16xf32>
      %get3A_194 = arith.index_cast %add3A_132 : i32 to index
      %get3A_195 = arith.constant 64 : index
      %get3A_196 = tpu.vector_load %arg14[%get3A_194, %get3A_195] {strides = array<i32>} : memref<128x128xf32, #tpu.memory_space<vmem>>, vector<16xf32>,
      %add3A_197 = arith.addf %add3A_193, %get3A_196 : vector<16xf32>
      %swap3A_198 = arith.index_cast %add3A_132 : i32 to index
      %swap3A_199 = arith.constant 64 : index
      %swap3A_200 = tpu.vector_load %arg12[%swap3A_198, %swap3A_199] {strides = array<i32>} : memref<128x128xf32, #tpu.memory_space<vmem>>, vector<16xf32>,
      tpu.vector_store %arg12[%swap3A_198, %swap3A_199], %add3A_197 {strides = array<i32>} : memref<128x128xf32, #tpu.memory_space<vmem>>, vector<16xf32>,
      %get3A_201 = arith.index_cast %add3A_132 : i32 to index
      %get3A_202 = arith.constant 80 : index
      %get3A_203 = tpu.vector_load %arg12[%get3A_201, %get3A_202] {strides = array<i32>} : memref<128x128xf32, #tpu.memory_space<vmem>>, vector<16xf32>,
      %get3A_204 = arith.index_cast %add3A_132 : i32 to index
      %get3A_205 = arith.constant 80 : index
      %get3A_206 = tpu.vector_load %arg13[%get3A_204, %get3A_205] {strides = array<i32>} : memref<128x128xf32, #tpu.memory_space<vmem>>, vector<16xf32>,
      %add3A_207 = arith.addf %get3A_203, %get3A_206 : vector<16xf32>
      %get3A_208 = arith.index_cast %add3A_132 : i32 to index
      %get3A_209 = arith.constant 80 : index
      %get3A_210 = tpu.vector_load %arg14[%get3A_208, %get3A_209] {strides = array<i32>} : memref<128x128xf32, #tpu.memory_space<vmem>>, vector<16xf32>,
      %add3A_211 = arith.addf %add3A_207, %get3A_210 : vector<16xf32>
      %swap3A_212 = arith.index_cast %add3A_132 : i32 to index
      %swap3A_213 = arith.constant 80 : index
      %swap3A_214 = tpu.vector_load %arg12[%swap3A_212, %swap3A_213] {strides = array<i32>} : memref<128x128xf32, #tpu.memory_space<vmem>>, vector<16xf32>,
      tpu.vector_store %arg12[%swap3A_212, %swap3A_213], %add3A_211 {strides = array<i32>} : memref<128x128xf32, #tpu.memory_space<vmem>>, vector<16xf32>,
      %get3A_215 = arith.index_cast %add3A_132 : i32 to index
      %get3A_216 = arith.constant 96 : index
      %get3A_217 = tpu.vector_load %arg12[%get3A_215, %get3A_216] {strides = array<i32>} : memref<128x128xf32, #tpu.memory_space<vmem>>, vector<16xf32>,
      %get3A_218 = arith.index_cast %add3A_132 : i32 to index
      %get3A_219 = arith.constant 96 : index
      %get3A_220 = tpu.vector_load %arg13[%get3A_218, %get3A_219] {strides = array<i32>} : memref<128x128xf32, #tpu.memory_space<vmem>>, vector<16xf32>,
      %add3A_221 = arith.addf %get3A_217, %get3A_220 : vector<16xf32>
      %get3A_222 = arith.index_cast %add3A_132 : i32 to index
      %get3A_223 = arith.constant 96 : index
      %get3A_224 = tpu.vector_load %arg14[%get3A_222, %get3A_223] {strides = array<i32>} : memref<128x128xf32, #tpu.memory_space<vmem>>, vector<16xf32>,
      %add3A_225 = arith.addf %add3A_221, %get3A_224 : vector<16xf32>
      %swap3A_226 = arith.index_cast %add3A_132 : i32 to index
      %swap3A_227 = arith.constant 96 : index
      %swap3A_228 = tpu.vector_load %arg12[%swap3A_226, %swap3A_227] {strides = array<i32>} : memref<128x128xf32, #tpu.memory_space<vmem>>, vector<16xf32>,
      tpu.vector_store %arg12[%swap3A_226, %swap3A_227], %add3A_225 {strides = array<i32>} : memref<128x128xf32, #tpu.memory_space<vmem>>, vector<16xf32>,
      %get3A_229 = arith.index_cast %add3A_132 : i32 to index
      %get3A_230 = arith.constant 112 : index
      %get3A_231 = tpu.vector_load %arg12[%get3A_229, %get3A_230] {strides = array<i32>} : memref<128x128xf32, #tpu.memory_space<vmem>>, vector<16xf32>,
      %get3A_232 = arith.index_cast %add3A_132 : i32 to index
      %get3A_233 = arith.constant 112 : index
      %get3A_234 = tpu.vector_load %arg13[%get3A_232, %get3A_233] {strides = array<i32>} : memref<128x128xf32, #tpu.memory_space<vmem>>, vector<16xf32>,
      %add3A_235 = arith.addf %get3A_231, %get3A_234 : vector<16xf32>
      %get3A_236 = arith.index_cast %add3A_132 : i32 to index
      %get3A_237 = arith.constant 112 : index
      %get3A_238 = tpu.vector_load %arg14[%get3A_236, %get3A_237] {strides = array<i32>} : memref<128x128xf32, #tpu.memory_space<vmem>>, vector<16xf32>,
      %add3A_239 = arith.addf %add3A_235, %get3A_238 : vector<16xf32>
      %swap3A_240 = arith.index_cast %add3A_132 : i32 to index
      %swap3A_241 = arith.constant 112 : index
      %swap3A_242 = tpu.vector_load %arg12[%swap3A_240, %swap3A_241] {strides = array<i32>} : memref<128x128xf32, #tpu.memory_space<vmem>>, vector<16xf32>,
      tpu.vector_store %arg12[%swap3A_240, %swap3A_241], %add3A_239 {strides = array<i32>} : memref<128x128xf32, #tpu.memory_space<vmem>>, vector<16xf32>,
    }
    %scan3A_111 = arith.constant 128 : i32
    %mul3A_112 = arith.constant 256 : i32
    %mul3A_113 = arith.muli %add3A, %mul3A_112 : i32
    %add3A_114 = arith.constant 128 : i32
    %add3A_115 = arith.addi %mul3A_113, %add3A_114 : i32
    %dma_start3A_116 = arith.constant 0 : i32
    %dma_start3A_117 = tpu.memref_slice %arg4[%add3A_115, %dma_start3A_116] : memref<8192x128xf32, #tpu.memory_space<hbm>> -> memref<128x128xf32, #tpu.memory_space<hbm>>
    %dma_start3A_118 = arith.constant 0 : i32
    %dma_start3A_119 = tpu.memref_slice %arg4[%add3A_115, %dma_start3A_118] : memref<8192x128xf32, #tpu.memory_space<hbm>> -> memref<128x128xf32, #tpu.memory_space<hbm>>
    tpu.enqueue_dma source(%arg12 : memref<128x128xf32, #tpu.memory_space<vmem>>) target(%dma_start3A_119 : memref<128x128xf32, #tpu.memory_space<hbm>>) target_semaphore(%arg22 : memref<!tpu.dma_semaphore, #tpu.memory_space<semaphore_mem>>)
    %dma_wait3A_120 = arith.constant 0 : i32
    %dma_wait3A_121 = tpu.memref_slice %arg4[%add3A_87, %dma_wait3A_120] : memref<8192x128xf32, #tpu.memory_space<hbm>> -> memref<128x128xf32, #tpu.memory_space<hbm>>
    %dma_wait3A_122 = arith.constant 0 : i32
    %dma_wait3A_123 = tpu.memref_slice %arg4[%add3A_87, %dma_wait3A_122] : memref<8192x128xf32, #tpu.memory_space<hbm>> -> memref<128x128xf32, #tpu.memory_space<hbm>>
    tpu.wait_dma2 semaphore(%arg21 : memref<!tpu.dma_semaphore, #tpu.memory_space<semaphore_mem>>) src(%arg9 : memref<128x128xf32, #tpu.memory_space<vmem>>) dst(%dma_wait3A_123 : memref<128x128xf32, #tpu.memory_space<hbm>>)
    %dma_wait3A_124 = arith.constant 0 : i32
    %dma_wait3A_125 = tpu.memref_slice %arg4[%add3A_115, %dma_wait3A_124] : memref<8192x128xf32, #tpu.memory_space<hbm>> -> memref<128x128xf32, #tpu.memory_space<hbm>>
    %dma_wait3A_126 = arith.constant 0 : i32
    %dma_wait3A_127 = tpu.memref_slice %arg4[%add3A_115, %dma_wait3A_126] : memref<8192x128xf32, #tpu.memory_space<hbm>> -> memref<128x128xf32, #tpu.memory_space<hbm>>
    tpu.wait_dma2 semaphore(%arg22 : memref<!tpu.dma_semaphore, #tpu.memory_space<semaphore_mem>>) src(%arg12 : memref<128x128xf32, #tpu.memory_space<vmem>>) dst(%dma_wait3A_127 : memref<128x128xf32, #tpu.memory_space<hbm>>)
    return
  }
}

module attributes {stable_mosaic.version = 14 : i64} {
  func.func @_mlp_body(%arg0: i32, %arg1: memref<2048x128xf32, #tpu.memory_space<vmem>>, %arg2: memref<1x128xf32, #tpu.memory_space<vmem>>, %arg3: memref<128x128xbf16, #tpu.memory_space<vmem>>, %arg4: memref<128x128xbf16, #tpu.memory_space<vmem>>, %arg5: memref<1x128xf32, #tpu.memory_space<vmem>>, %arg6: memref<128x128xbf16, #tpu.memory_space<vmem>>, %arg7: memref<128x128xbf16, #tpu.memory_space<vmem>>, %arg8: memref<1x128xf32, #tpu.memory_space<vmem>>, %arg9: memref<128x1xbf16, #tpu.memory_space<vmem>>, %arg10: memref<128x1xbf16, #tpu.memory_space<vmem>>, %arg11: memref<1x1xf32, #tpu.memory_space<vmem>>, %arg12: memref<2048x1xf32, #tpu.memory_space<vmem>>) attributes {dimension_semantics = [#tpu.dimension_semantics<arbitrary>], iteration_bounds = array<i64: 4>, scalar_prefetch = 0 : i64, scratch_operands = 0 : i64, tpu.core_type = #tpu.core_type<tc>, window_params = [{transform_indices = @transform_0, window_bounds = array<i64: 2048, 128>}, {pipeline_mode = #tpu.pipeline_mode<synchronous>, transform_indices = @transform_1, window_bounds = array<i64: 1, 128>}, {pipeline_mode = #tpu.pipeline_mode<synchronous>, transform_indices = @transform_2, window_bounds = array<i64: 128, 128>}, {pipeline_mode = #tpu.pipeline_mode<synchronous>, transform_indices = @transform_3, window_bounds = array<i64: 128, 128>}, {pipeline_mode = #tpu.pipeline_mode<synchronous>, transform_indices = @transform_4, window_bounds = array<i64: 1, 128>}, {pipeline_mode = #tpu.pipeline_mode<synchronous>, transform_indices = @transform_5, window_bounds = array<i64: 128, 128>}, {pipeline_mode = #tpu.pipeline_mode<synchronous>, transform_indices = @transform_6, window_bounds = array<i64: 128, 128>}, {pipeline_mode = #tpu.pipeline_mode<synchronous>, transform_indices = @transform_7, window_bounds = array<i64: 1, 128>}, {pipeline_mode = #tpu.pipeline_mode<synchronous>, transform_indices = @transform_8, window_bounds = array<i64: 128, 1>}, {pipeline_mode = #tpu.pipeline_mode<synchronous>, transform_indices = @transform_9, window_bounds = array<i64: 128, 1>}, {pipeline_mode = #tpu.pipeline_mode<synchronous>, transform_indices = @transform_10, window_bounds = array<i64: 1, 1>}, {transform_indices = @transform_11, window_bounds = array<i64: 2048, 1>}]} {
    %get3A = arith.constant 0 : index
    %get3A_0 = arith.constant 0 : index
    %get3A_1 = vector.load %arg1[%get3A, %get3A_0] : memref<2048x128xf32, #tpu.memory_space<vmem>>, vector<2048x128xf32>
    %get3A_2 = arith.constant 0 : index
    %get3A_3 = arith.constant 0 : index
    %get3A_4 = vector.load %arg2[%get3A_2, %get3A_3] : memref<1x128xf32, #tpu.memory_space<vmem>>, vector<1x128xf32>
    %add3A = vector.broadcast %get3A_4 : vector<1x128xf32> to vector<2048x128xf32>
    %add3A_5 = arith.addf %get3A_1, %add3A : vector<2048x128xf32>
    %max3A = arith.constant 0.000000e+00 : f32
    %max3A_6 = vector.broadcast %max3A : f32 to vector<2048x128xf32>
    %max3A_7 = arith.maximumf %add3A_5, %max3A_6 : vector<2048x128xf32>
    %get3A_8 = arith.constant 0 : index
    %get3A_9 = arith.constant 0 : index
    %get3A_10 = vector.load %arg3[%get3A_8, %get3A_9] : memref<128x128xbf16, #tpu.memory_space<vmem>>, vector<128x128xbf16>
    %get3A_11 = arith.constant 0 : index
    %get3A_12 = arith.constant 0 : index
    %get3A_13 = vector.load %arg4[%get3A_11, %get3A_12] : memref<128x128xbf16, #tpu.memory_space<vmem>>, vector<128x128xbf16>
    %convert_element_type3A = arith.truncf %max3A_7 : vector<2048x128xf32> to vector<2048x128xbf16>
    %convert_element_type3A_14 = arith.extf %convert_element_type3A : vector<2048x128xbf16> to vector<2048x128xf32>
    %sub3A = arith.subf %max3A_7, %convert_element_type3A_14 : vector<2048x128xf32>
    %convert_element_type3A_15 = arith.truncf %sub3A : vector<2048x128xf32> to vector<2048x128xbf16>
    %dot_general3A = arith.constant dense<0.000000e+00> : vector<2048x128xf32>
    %dot_general3A_16 = tpu.matmul %convert_element_type3A, %get3A_10, %dot_general3A {dimension_numbers = #tpu.dot_dimension_numbers<[1], [0], [0], [1], [0, 0, 1, 1], [], []>, transpose_lhs_hint = false} : vector<2048x128xbf16>, vector<128x128xbf16>, vector<2048x128xf32> -> vector<2048x128xf32>
    %dot_general3A_17 = arith.constant dense<0.000000e+00> : vector<2048x128xf32>
    %dot_general3A_18 = tpu.matmul %convert_element_type3A, %get3A_13, %dot_general3A_17 {dimension_numbers = #tpu.dot_dimension_numbers<[1], [0], [0], [1], [0, 0, 1, 1], [], []>, transpose_lhs_hint = false} : vector<2048x128xbf16>, vector<128x128xbf16>, vector<2048x128xf32> -> vector<2048x128xf32>
    %dot_general3A_19 = arith.constant dense<0.000000e+00> : vector<2048x128xf32>
    %dot_general3A_20 = tpu.matmul %convert_element_type3A_15, %get3A_10, %dot_general3A_19 {dimension_numbers = #tpu.dot_dimension_numbers<[1], [0], [0], [1], [0, 0, 1, 1], [], []>, transpose_lhs_hint = false} : vector<2048x128xbf16>, vector<128x128xbf16>, vector<2048x128xf32> -> vector<2048x128xf32>
    %add3A_21 = arith.addf %dot_general3A_18, %dot_general3A_20 : vector<2048x128xf32>
    %add3A_22 = arith.addf %dot_general3A_16, %add3A_21 : vector<2048x128xf32>
    %get3A_23 = arith.constant 0 : index
    %get3A_24 = arith.constant 0 : index
    %get3A_25 = vector.load %arg5[%get3A_23, %get3A_24] : memref<1x128xf32, #tpu.memory_space<vmem>>, vector<1x128xf32>
    %add3A_26 = vector.broadcast %get3A_25 : vector<1x128xf32> to vector<2048x128xf32>
    %add3A_27 = arith.addf %add3A_22, %add3A_26 : vector<2048x128xf32>
    %max3A_28 = arith.constant 0.000000e+00 : f32
    %max3A_29 = vector.broadcast %max3A_28 : f32 to vector<2048x128xf32>
    %max3A_30 = arith.maximumf %add3A_27, %max3A_29 : vector<2048x128xf32>
    %get3A_31 = arith.constant 0 : index
    %get3A_32 = arith.constant 0 : index
    %get3A_33 = vector.load %arg6[%get3A_31, %get3A_32] : memref<128x128xbf16, #tpu.memory_space<vmem>>, vector<128x128xbf16>
    %get3A_34 = arith.constant 0 : index
    %get3A_35 = arith.constant 0 : index
    %get3A_36 = vector.load %arg7[%get3A_34, %get3A_35] : memref<128x128xbf16, #tpu.memory_space<vmem>>, vector<128x128xbf16>
    %convert_element_type3A_37 = arith.truncf %max3A_30 : vector<2048x128xf32> to vector<2048x128xbf16>
    %convert_element_type3A_38 = arith.extf %convert_element_type3A_37 : vector<2048x128xbf16> to vector<2048x128xf32>
    %sub3A_39 = arith.subf %max3A_30, %convert_element_type3A_38 : vector<2048x128xf32>
    %convert_element_type3A_40 = arith.truncf %sub3A_39 : vector<2048x128xf32> to vector<2048x128xbf16>
    %dot_general3A_41 = arith.constant dense<0.000000e+00> : vector<2048x128xf32>
    %dot_general3A_42 = tpu.matmul %convert_element_type3A_37, %get3A_33, %dot_general3A_41 {dimension_numbers = #tpu.dot_dimension_numbers<[1], [0], [0], [1], [0, 0, 1, 1], [], []>, transpose_lhs_hint = false} : vector<2048x128xbf16>, vector<128x128xbf16>, vector<2048x128xf32> -> vector<2048x128xf32>
    %dot_general3A_43 = arith.constant dense<0.000000e+00> : vector<2048x128xf32>
    %dot_general3A_44 = tpu.matmul %convert_element_type3A_37, %get3A_36, %dot_general3A_43 {dimension_numbers = #tpu.dot_dimension_numbers<[1], [0], [0], [1], [0, 0, 1, 1], [], []>, transpose_lhs_hint = false} : vector<2048x128xbf16>, vector<128x128xbf16>, vector<2048x128xf32> -> vector<2048x128xf32>
    %dot_general3A_45 = arith.constant dense<0.000000e+00> : vector<2048x128xf32>
    %dot_general3A_46 = tpu.matmul %convert_element_type3A_40, %get3A_33, %dot_general3A_45 {dimension_numbers = #tpu.dot_dimension_numbers<[1], [0], [0], [1], [0, 0, 1, 1], [], []>, transpose_lhs_hint = false} : vector<2048x128xbf16>, vector<128x128xbf16>, vector<2048x128xf32> -> vector<2048x128xf32>
    %add3A_47 = arith.addf %dot_general3A_44, %dot_general3A_46 : vector<2048x128xf32>
    %add3A_48 = arith.addf %dot_general3A_42, %add3A_47 : vector<2048x128xf32>
    %get3A_49 = arith.constant 0 : index
    %get3A_50 = arith.constant 0 : index
    %get3A_51 = vector.load %arg8[%get3A_49, %get3A_50] : memref<1x128xf32, #tpu.memory_space<vmem>>, vector<1x128xf32>
    %add3A_52 = vector.broadcast %get3A_51 : vector<1x128xf32> to vector<2048x128xf32>
    %add3A_53 = arith.addf %add3A_48, %add3A_52 : vector<2048x128xf32>
    %max3A_54 = arith.constant 0.000000e+00 : f32
    %max3A_55 = vector.broadcast %max3A_54 : f32 to vector<2048x128xf32>
    %max3A_56 = arith.maximumf %add3A_53, %max3A_55 : vector<2048x128xf32>
    %get3A_57 = arith.constant 0 : index
    %get3A_58 = arith.constant 0 : index
    %get3A_59 = vector.load %arg9[%get3A_57, %get3A_58] : memref<128x1xbf16, #tpu.memory_space<vmem>>, vector<128x1xbf16>
    %get3A_60 = arith.constant 0 : index
    %get3A_61 = arith.constant 0 : index
    %get3A_62 = vector.load %arg10[%get3A_60, %get3A_61] : memref<128x1xbf16, #tpu.memory_space<vmem>>, vector<128x1xbf16>
    %convert_element_type3A_63 = arith.truncf %max3A_56 : vector<2048x128xf32> to vector<2048x128xbf16>
    %convert_element_type3A_64 = arith.extf %convert_element_type3A_63 : vector<2048x128xbf16> to vector<2048x128xf32>
    %sub3A_65 = arith.subf %max3A_56, %convert_element_type3A_64 : vector<2048x128xf32>
    %convert_element_type3A_66 = arith.truncf %sub3A_65 : vector<2048x128xf32> to vector<2048x128xbf16>
    %dot_general3A_67 = arith.constant dense<0.000000e+00> : vector<2048x1xf32>
    %dot_general3A_68 = tpu.matmul %convert_element_type3A_63, %get3A_59, %dot_general3A_67 {dimension_numbers = #tpu.dot_dimension_numbers<[1], [0], [0], [1], [0, 0, 1, 1], [], []>, transpose_lhs_hint = false} : vector<2048x128xbf16>, vector<128x1xbf16>, vector<2048x1xf32> -> vector<2048x1xf32>
    %dot_general3A_69 = arith.constant dense<0.000000e+00> : vector<2048x1xf32>
    %dot_general3A_70 = tpu.matmul %convert_element_type3A_63, %get3A_62, %dot_general3A_69 {dimension_numbers = #tpu.dot_dimension_numbers<[1], [0], [0], [1], [0, 0, 1, 1], [], []>, transpose_lhs_hint = false} : vector<2048x128xbf16>, vector<128x1xbf16>, vector<2048x1xf32> -> vector<2048x1xf32>
    %dot_general3A_71 = arith.constant dense<0.000000e+00> : vector<2048x1xf32>
    %dot_general3A_72 = tpu.matmul %convert_element_type3A_66, %get3A_59, %dot_general3A_71 {dimension_numbers = #tpu.dot_dimension_numbers<[1], [0], [0], [1], [0, 0, 1, 1], [], []>, transpose_lhs_hint = false} : vector<2048x128xbf16>, vector<128x1xbf16>, vector<2048x1xf32> -> vector<2048x1xf32>
    %add3A_73 = arith.addf %dot_general3A_70, %dot_general3A_72 : vector<2048x1xf32>
    %add3A_74 = arith.addf %dot_general3A_68, %add3A_73 : vector<2048x1xf32>
    %get3A_75 = arith.constant 0 : index
    %get3A_76 = arith.constant 0 : index
    %get3A_77 = vector.load %arg11[%get3A_75, %get3A_76] : memref<1x1xf32, #tpu.memory_space<vmem>>, vector<1x1xf32>
    %add3A_78 = vector.broadcast %get3A_77 : vector<1x1xf32> to vector<2048x1xf32>
    %add3A_79 = arith.addf %add3A_74, %add3A_78 : vector<2048x1xf32>
    %swap3A = arith.constant 0 : index
    %swap3A_80 = arith.constant 0 : index
    %swap3A_81 = vector.load %arg12[%swap3A, %swap3A_80] : memref<2048x1xf32, #tpu.memory_space<vmem>>, vector<2048x1xf32>
    tpu.vector_store %arg12[%swap3A, %swap3A_80], %add3A_79 {strides = array<i32>} : memref<2048x1xf32, #tpu.memory_space<vmem>>, vector<2048x1xf32>,
    return
  }
  func.func @transform_0(%arg0: i32) -> (i32, i32) {
    %c0_i32 = arith.constant 0 : i32
    %c0_i32_0 = arith.constant 0 : i32
    return %arg0, %c0_i32 : i32, i32
  }
  func.func @transform_1(%arg0: i32) -> (i32, i32) {
    %c0_i32 = arith.constant 0 : i32
    %c0_i32_0 = arith.constant 0 : i32
    %c0_i32_1 = arith.constant 0 : i32
    return %c0_i32, %c0_i32_0 : i32, i32
  }
  func.func @transform_2(%arg0: i32) -> (i32, i32) {
    %c0_i32 = arith.constant 0 : i32
    %c0_i32_0 = arith.constant 0 : i32
    %c0_i32_1 = arith.constant 0 : i32
    return %c0_i32, %c0_i32_0 : i32, i32
  }
  func.func @transform_3(%arg0: i32) -> (i32, i32) {
    %c0_i32 = arith.constant 0 : i32
    %c0_i32_0 = arith.constant 0 : i32
    %c0_i32_1 = arith.constant 0 : i32
    return %c0_i32, %c0_i32_0 : i32, i32
  }
  func.func @transform_4(%arg0: i32) -> (i32, i32) {
    %c0_i32 = arith.constant 0 : i32
    %c0_i32_0 = arith.constant 0 : i32
    %c0_i32_1 = arith.constant 0 : i32
    return %c0_i32, %c0_i32_0 : i32, i32
  }
  func.func @transform_5(%arg0: i32) -> (i32, i32) {
    %c0_i32 = arith.constant 0 : i32
    %c0_i32_0 = arith.constant 0 : i32
    %c0_i32_1 = arith.constant 0 : i32
    return %c0_i32, %c0_i32_0 : i32, i32
  }
  func.func @transform_6(%arg0: i32) -> (i32, i32) {
    %c0_i32 = arith.constant 0 : i32
    %c0_i32_0 = arith.constant 0 : i32
    %c0_i32_1 = arith.constant 0 : i32
    return %c0_i32, %c0_i32_0 : i32, i32
  }
  func.func @transform_7(%arg0: i32) -> (i32, i32) {
    %c0_i32 = arith.constant 0 : i32
    %c0_i32_0 = arith.constant 0 : i32
    %c0_i32_1 = arith.constant 0 : i32
    return %c0_i32, %c0_i32_0 : i32, i32
  }
  func.func @transform_8(%arg0: i32) -> (i32, i32) {
    %c0_i32 = arith.constant 0 : i32
    %c0_i32_0 = arith.constant 0 : i32
    %c0_i32_1 = arith.constant 0 : i32
    return %c0_i32, %c0_i32_0 : i32, i32
  }
  func.func @transform_9(%arg0: i32) -> (i32, i32) {
    %c0_i32 = arith.constant 0 : i32
    %c0_i32_0 = arith.constant 0 : i32
    %c0_i32_1 = arith.constant 0 : i32
    return %c0_i32, %c0_i32_0 : i32, i32
  }
  func.func @transform_10(%arg0: i32) -> (i32, i32) {
    %c0_i32 = arith.constant 0 : i32
    %c0_i32_0 = arith.constant 0 : i32
    %c0_i32_1 = arith.constant 0 : i32
    return %c0_i32, %c0_i32_0 : i32, i32
  }
  func.func @transform_11(%arg0: i32) -> (i32, i32) {
    %c0_i32 = arith.constant 0 : i32
    %c0_i32_0 = arith.constant 0 : i32
    return %arg0, %c0_i32 : i32, i32
  }
}

module attributes {stable_mosaic.version = 14 : i64} {
  func.func @_prep_body(%arg0: i32, %arg1: memref<5x16384xi32, #tpu.memory_space<vmem>>, %arg2: memref<25x128xf32, #tpu.memory_space<vmem>>, %arg3: memref<10x128xf32, #tpu.memory_space<vmem>>, %arg4: memref<100x128xf32, #tpu.memory_space<vmem>>, %arg5: memref<384x128xf32, #tpu.memory_space<vmem>>, %arg6: memref<352x128xf32, #tpu.memory_space<vmem>>, %arg7: memref<8x16384xi32, #tpu.memory_space<vmem>>) attributes {dimension_semantics = [#tpu.dimension_semantics<arbitrary>], iteration_bounds = array<i64: 1>, scalar_prefetch = 0 : i64, scratch_operands = 0 : i64, tpu.core_type = #tpu.core_type<tc>, window_params = [{pipeline_mode = #tpu.pipeline_mode<synchronous>, transform_indices = @transform_0, window_bounds = array<i64: 5, 16384>}, {pipeline_mode = #tpu.pipeline_mode<synchronous>, transform_indices = @transform_1, window_bounds = array<i64: 25, 128>}, {pipeline_mode = #tpu.pipeline_mode<synchronous>, transform_indices = @transform_2, window_bounds = array<i64: 10, 128>}, {pipeline_mode = #tpu.pipeline_mode<synchronous>, transform_indices = @transform_3, window_bounds = array<i64: 100, 128>}, {pipeline_mode = #tpu.pipeline_mode<synchronous>, transform_indices = @transform_4, window_bounds = array<i64: 384, 128>}, {pipeline_mode = #tpu.pipeline_mode<synchronous>, transform_indices = @transform_5, window_bounds = array<i64: 352, 128>}, {pipeline_mode = #tpu.pipeline_mode<synchronous>, transform_indices = @transform_6, window_bounds = array<i64: 8, 16384>}]} {
    %get3A = arith.constant 0 : index
    %get3A_0 = arith.constant 0 : index
    %get3A_1 = vector.load %arg2[%get3A, %get3A_0] : memref<25x128xf32, #tpu.memory_space<vmem>>, vector<25x128xf32>
    %get3A_2 = arith.constant 0 : index
    %get3A_3 = arith.constant 0 : index
    %get3A_4 = vector.load %arg5[%get3A_2, %get3A_3] : memref<384x128xf32, #tpu.memory_space<vmem>>, vector<128x128xf32>
    %dot_general3A = arith.constant dense<0.000000e+00> : vector<25x128xf32>
    %dot_general3A_5 = tpu.matmul %get3A_1, %get3A_4, %dot_general3A {dimension_numbers = #tpu.dot_dimension_numbers<[1], [0], [0], [1], [0, 0, 1, 1], [], []>, precision = #tpu.contract_precision<fp32>, transpose_lhs_hint = false} : vector<25x128xf32>, vector<128x128xf32>, vector<25x128xf32> -> vector<25x128xf32>
    %get3A_6 = arith.constant 0 : index
    %get3A_7 = arith.constant 0 : index
    %get3A_8 = vector.load %arg3[%get3A_6, %get3A_7] : memref<10x128xf32, #tpu.memory_space<vmem>>, vector<10x128xf32>
    %get3A_9 = arith.constant 128 : index
    %get3A_10 = arith.constant 0 : index
    %get3A_11 = vector.load %arg5[%get3A_9, %get3A_10] : memref<384x128xf32, #tpu.memory_space<vmem>>, vector<128x128xf32>
    %dot_general3A_12 = arith.constant dense<0.000000e+00> : vector<10x128xf32>
    %dot_general3A_13 = tpu.matmul %get3A_8, %get3A_11, %dot_general3A_12 {dimension_numbers = #tpu.dot_dimension_numbers<[1], [0], [0], [1], [0, 0, 1, 1], [], []>, precision = #tpu.contract_precision<fp32>, transpose_lhs_hint = false} : vector<10x128xf32>, vector<128x128xf32>, vector<10x128xf32> -> vector<10x128xf32>
    %get3A_14 = arith.constant 0 : index
    %get3A_15 = arith.constant 0 : index
    %get3A_16 = vector.load %arg4[%get3A_14, %get3A_15] : memref<100x128xf32, #tpu.memory_space<vmem>>, vector<100x128xf32>
    %get3A_17 = arith.constant 256 : index
    %get3A_18 = arith.constant 0 : index
    %get3A_19 = vector.load %arg5[%get3A_17, %get3A_18] : memref<384x128xf32, #tpu.memory_space<vmem>>, vector<128x128xf32>
    %dot_general3A_20 = arith.constant dense<0.000000e+00> : vector<100x128xf32>
    %dot_general3A_21 = tpu.matmul %get3A_16, %get3A_19, %dot_general3A_20 {dimension_numbers = #tpu.dot_dimension_numbers<[1], [0], [0], [1], [0, 0, 1, 1], [], []>, precision = #tpu.contract_precision<fp32>, transpose_lhs_hint = false} : vector<100x128xf32>, vector<128x128xf32>, vector<100x128xf32> -> vector<100x128xf32>
    %iota3A = tpu.iota {dimensions = array<i32: 0>} : vector<250x25xi32>
    %jit3A = arith.constant 10 : i32
    %div3A = vector.broadcast %jit3A : i32 to vector<250x25xi32>
    %div3A_22 = arith.divsi %iota3A, %div3A : vector<250x25xi32>
    %sign3A = arith.constant 0 : i32
    %sign3A_23 = vector.broadcast %sign3A : i32 to vector<250x25xi32>
    %sign3A_24 = arith.cmpi sgt, %iota3A, %sign3A_23 : vector<250x25xi32>
    %sign3A_25 = arith.extui %sign3A_24 : vector<250x25xi1> to vector<250x25xi32>
    %sign3A_26 = arith.constant 0 : i32
    %sign3A_27 = vector.broadcast %sign3A_26 : i32 to vector<250x25xi32>
    %sign3A_28 = arith.cmpi slt, %iota3A, %sign3A_27 : vector<250x25xi32>
    %sign3A_29 = arith.extui %sign3A_28 : vector<250x25xi1> to vector<250x25xi32>
    %sign3A_30 = arith.subi %sign3A_25, %sign3A_29 : vector<250x25xi32>
    %sign3A_31 = arith.constant 0 : i32
    %sign3A_32 = arith.cmpi sgt, %jit3A, %sign3A_31 : i32
    %sign3A_33 = arith.extui %sign3A_32 : i1 to i32
    %sign3A_34 = arith.constant 0 : i32
    %sign3A_35 = arith.cmpi slt, %jit3A, %sign3A_34 : i32
    %sign3A_36 = arith.extui %sign3A_35 : i1 to i32
    %sign3A_37 = arith.subi %sign3A_33, %sign3A_36 : i32
    %ne3A = vector.broadcast %sign3A_37 : i32 to vector<250x25xi32>
    %ne3A_38 = arith.cmpi ne, %sign3A_30, %ne3A : vector<250x25xi32>
    %rem3A = vector.broadcast %jit3A : i32 to vector<250x25xi32>
    %rem3A_39 = arith.remsi %iota3A, %rem3A : vector<250x25xi32>
    %ne3A_40 = arith.constant 0 : i32
    %ne3A_41 = vector.broadcast %ne3A_40 : i32 to vector<250x25xi32>
    %ne3A_42 = arith.cmpi ne, %rem3A_39, %ne3A_41 : vector<250x25xi32>
    %and3A = arith.andi %ne3A_38, %ne3A_42 : vector<250x25xi1>
    %sub3A = arith.constant 1 : i32
    %sub3A_43 = vector.broadcast %sub3A : i32 to vector<250x25xi32>
    %sub3A_44 = arith.subi %div3A_22, %sub3A_43 : vector<250x25xi32>
    %select_n3A = arith.select %and3A, %sub3A_44, %div3A_22 : vector<250x25xi1>, vector<250x25xi32>
    %iota3A_45 = tpu.iota {dimensions = array<i32: 1>} : vector<250x25xi32>
    %eq3A = arith.cmpi eq, %select_n3A, %iota3A_45 : vector<250x25xi32>
    %convert_element_type3A = arith.extui %eq3A : vector<250x25xi1> to vector<250x25xi32>
    %convert_element_type3A_46 = arith.sitofp %convert_element_type3A : vector<250x25xi32> to vector<250x25xf32>
    %iota3A_47 = tpu.iota {dimensions = array<i32: 0>} : vector<250x10xi32>
    %jit3A_48 = arith.constant 10 : i32
    %eq3A_49 = arith.constant 0 : i32
    %eq3A_50 = arith.cmpi eq, %jit3A_48, %eq3A_49 : i32
    %jit3A_51 = arith.constant 1 : i32
    %select_n3A_52 = arith.select %eq3A_50, %jit3A_51, %jit3A_48 : i32
    %rem3A_53 = vector.broadcast %select_n3A_52 : i32 to vector<250x10xi32>
    %rem3A_54 = arith.remsi %iota3A_47, %rem3A_53 : vector<250x10xi32>
    %ne3A_55 = arith.constant 0 : i32
    %ne3A_56 = vector.broadcast %ne3A_55 : i32 to vector<250x10xi32>
    %ne3A_57 = arith.cmpi ne, %rem3A_54, %ne3A_56 : vector<250x10xi32>
    %lt3A = arith.constant 0 : i32
    %lt3A_58 = vector.broadcast %lt3A : i32 to vector<250x10xi32>
    %lt3A_59 = arith.cmpi slt, %rem3A_54, %lt3A_58 : vector<250x10xi32>
    %lt3A_60 = arith.constant 0 : i32
    %lt3A_61 = arith.cmpi slt, %select_n3A_52, %lt3A_60 : i32
    %ne3A_62 = vector.broadcast %lt3A_61 : i1 to vector<250x10xi1>
    %ne3A_63 = vector.broadcast %ne3A_62 : vector<250x10xi1> to vector<250x10xi1>
    %ne3A_64 = arith.xori %lt3A_59, %ne3A_63 : vector<250x10xi1>
    %and3A_65 = arith.andi %ne3A_64, %ne3A_57 : vector<250x10xi1>
    %add3A = vector.broadcast %select_n3A_52 : i32 to vector<250x10xi32>
    %add3A_66 = arith.addi %rem3A_54, %add3A : vector<250x10xi32>
    %select_n3A_67 = arith.select %and3A_65, %add3A_66, %rem3A_54 : vector<250x10xi1>, vector<250x10xi32>
    %iota3A_68 = tpu.iota {dimensions = array<i32: 1>} : vector<250x10xi32>
    %eq3A_69 = arith.cmpi eq, %select_n3A_67, %iota3A_68 : vector<250x10xi32>
    %convert_element_type3A_70 = arith.extui %eq3A_69 : vector<250x10xi1> to vector<250x10xi32>
    %convert_element_type3A_71 = arith.sitofp %convert_element_type3A_70 : vector<250x10xi32> to vector<250x10xf32>
    %dot_general3A_72 = arith.constant dense<0.000000e+00> : vector<250x128xf32>
    %dot_general3A_73 = tpu.matmul %convert_element_type3A_46, %dot_general3A_5, %dot_general3A_72 {dimension_numbers = #tpu.dot_dimension_numbers<[1], [0], [0], [1], [0, 0, 1, 1], [], []>, precision = #tpu.contract_precision<fp32>, transpose_lhs_hint = false} : vector<250x25xf32>, vector<25x128xf32>, vector<250x128xf32> -> vector<250x128xf32>
    %dot_general3A_74 = arith.constant dense<0.000000e+00> : vector<250x128xf32>
    %dot_general3A_75 = tpu.matmul %convert_element_type3A_71, %dot_general3A_13, %dot_general3A_74 {dimension_numbers = #tpu.dot_dimension_numbers<[1], [0], [0], [1], [0, 0, 1, 1], [], []>, precision = #tpu.contract_precision<fp32>, transpose_lhs_hint = false} : vector<250x10xf32>, vector<10x128xf32>, vector<250x128xf32> -> vector<250x128xf32>
    %add3A_76 = arith.addf %dot_general3A_73, %dot_general3A_75 : vector<250x128xf32>
    %mul3A = arith.constant 5.000000e-01 : f32
    %mul3A_77 = vector.broadcast %mul3A : f32 to vector<250x128xf32>
    %mul3A_78 = arith.mulf %mul3A_77, %add3A_76 : vector<250x128xf32>
    %broadcast_in_dim3A = arith.constant 0.000000e+00 : f32
    %broadcast_in_dim3A_79 = vector.broadcast %broadcast_in_dim3A : f32 to vector<2x128xf32>
    %concatenate3A = tpu.concatenate %mul3A_78, %dot_general3A_21, %broadcast_in_dim3A_79 in 0 : vector<250x128xf32>, vector<100x128xf32>, vector<2x128xf32> -> vector<352x128xf32>
    %swap3A = arith.constant 0 : index
    %swap3A_80 = arith.constant 0 : index
    %swap3A_81 = vector.load %arg6[%swap3A, %swap3A_80] : memref<352x128xf32, #tpu.memory_space<vmem>>, vector<352x128xf32>
    tpu.vector_store %arg6[%swap3A, %swap3A_80], %concatenate3A {strides = array<i32>} : memref<352x128xf32, #tpu.memory_space<vmem>>, vector<352x128xf32>,
    %get3A_82 = arith.constant 0 : index
    %get3A_83 = arith.constant 0 : index
    %get3A_84 = vector.load %arg1[%get3A_82, %get3A_83] : memref<5x16384xi32, #tpu.memory_space<vmem>>, vector<1x16384xi32>
    %get3A_85 = arith.constant 1 : index
    %get3A_86 = arith.constant 0 : index
    %get3A_87 = vector.load %arg1[%get3A_85, %get3A_86] : memref<5x16384xi32, #tpu.memory_space<vmem>>, vector<1x16384xi32>
    %get3A_88 = arith.constant 2 : index
    %get3A_89 = arith.constant 0 : index
    %get3A_90 = vector.load %arg1[%get3A_88, %get3A_89] : memref<5x16384xi32, #tpu.memory_space<vmem>>, vector<1x16384xi32>
    %get3A_91 = arith.constant 3 : index
    %get3A_92 = arith.constant 0 : index
    %get3A_93 = vector.load %arg1[%get3A_91, %get3A_92] : memref<5x16384xi32, #tpu.memory_space<vmem>>, vector<1x16384xi32>
    %get3A_94 = arith.constant 4 : index
    %get3A_95 = arith.constant 0 : index
    %get3A_96 = vector.load %arg1[%get3A_94, %get3A_95] : memref<5x16384xi32, #tpu.memory_space<vmem>>, vector<1x16384xi32>
    %jit3A_97 = arith.constant 0 : i32
    %jit3A_98 = arith.constant 24 : i32
    %max3A = vector.broadcast %jit3A_97 : i32 to vector<1x16384xi32>
    %max3A_99 = arith.maxsi %max3A, %get3A_84 : vector<1x16384xi32>
    %min3A = vector.broadcast %jit3A_98 : i32 to vector<1x16384xi32>
    %min3A_100 = arith.minsi %min3A, %max3A_99 : vector<1x16384xi32>
    %mul3A_101 = arith.constant 10 : i32
    %mul3A_102 = vector.broadcast %mul3A_101 : i32 to vector<1x16384xi32>
    %mul3A_103 = arith.muli %mul3A_102, %min3A_100 : vector<1x16384xi32>
    %jit3A_104 = arith.constant 0 : i32
    %jit3A_105 = arith.constant 9 : i32
    %max3A_106 = vector.broadcast %jit3A_104 : i32 to vector<1x16384xi32>
    %max3A_107 = arith.maxsi %max3A_106, %get3A_87 : vector<1x16384xi32>
    %min3A_108 = vector.broadcast %jit3A_105 : i32 to vector<1x16384xi32>
    %min3A_109 = arith.minsi %min3A_108, %max3A_107 : vector<1x16384xi32>
    %add3A_110 = arith.addi %mul3A_103, %min3A_109 : vector<1x16384xi32>
    %jit3A_111 = arith.constant 0 : i32
    %jit3A_112 = arith.constant 24 : i32
    %max3A_113 = vector.broadcast %jit3A_111 : i32 to vector<1x16384xi32>
    %max3A_114 = arith.maxsi %max3A_113, %get3A_90 : vector<1x16384xi32>
    %min3A_115 = vector.broadcast %jit3A_112 : i32 to vector<1x16384xi32>
    %min3A_116 = arith.minsi %min3A_115, %max3A_114 : vector<1x16384xi32>
    %mul3A_117 = arith.constant 10 : i32
    %mul3A_118 = vector.broadcast %mul3A_117 : i32 to vector<1x16384xi32>
    %mul3A_119 = arith.muli %mul3A_118, %min3A_116 : vector<1x16384xi32>
    %jit3A_120 = arith.constant 0 : i32
    %jit3A_121 = arith.constant 9 : i32
    %max3A_122 = vector.broadcast %jit3A_120 : i32 to vector<1x16384xi32>
    %max3A_123 = arith.maxsi %max3A_122, %get3A_93 : vector<1x16384xi32>
    %min3A_124 = vector.broadcast %jit3A_121 : i32 to vector<1x16384xi32>
    %min3A_125 = arith.minsi %min3A_124, %max3A_123 : vector<1x16384xi32>
    %add3A_126 = arith.addi %mul3A_119, %min3A_125 : vector<1x16384xi32>
    %jit3A_127 = arith.constant 0 : i32
    %jit3A_128 = arith.constant 99 : i32
    %max3A_129 = vector.broadcast %jit3A_127 : i32 to vector<1x16384xi32>
    %max3A_130 = arith.maxsi %max3A_129, %get3A_96 : vector<1x16384xi32>
    %min3A_131 = vector.broadcast %jit3A_128 : i32 to vector<1x16384xi32>
    %min3A_132 = arith.minsi %min3A_131, %max3A_130 : vector<1x16384xi32>
    %add3A_133 = arith.constant 250 : i32
    %add3A_134 = vector.broadcast %add3A_133 : i32 to vector<1x16384xi32>
    %add3A_135 = arith.addi %add3A_134, %min3A_132 : vector<1x16384xi32>
    %broadcast_in_dim3A_136 = arith.constant 0 : i32
    %broadcast_in_dim3A_137 = vector.broadcast %broadcast_in_dim3A_136 : i32 to vector<5x16384xi32>
    %concatenate3A_138 = tpu.concatenate %add3A_110, %add3A_126, %add3A_135, %broadcast_in_dim3A_137 in 0 : vector<1x16384xi32>, vector<1x16384xi32>, vector<1x16384xi32>, vector<5x16384xi32> -> vector<8x16384xi32>
    %swap3A_139 = arith.constant 0 : index
    %swap3A_140 = arith.constant 0 : index
    %swap3A_141 = vector.load %arg7[%swap3A_139, %swap3A_140] : memref<8x16384xi32, #tpu.memory_space<vmem>>, vector<8x16384xi32>
    tpu.vector_store %arg7[%swap3A_139, %swap3A_140], %concatenate3A_138 {strides = array<i32>} : memref<8x16384xi32, #tpu.memory_space<vmem>>, vector<8x16384xi32>,
    return
  }
  func.func @transform_0(%arg0: i32) -> (i32, i32) {
    %c0_i32 = arith.constant 0 : i32
    %c0_i32_0 = arith.constant 0 : i32
    %c0_i32_1 = arith.constant 0 : i32
    return %c0_i32, %c0_i32_0 : i32, i32
  }
  func.func @transform_1(%arg0: i32) -> (i32, i32) {
    %c0_i32 = arith.constant 0 : i32
    %c0_i32_0 = arith.constant 0 : i32
    %c0_i32_1 = arith.constant 0 : i32
    return %c0_i32, %c0_i32_0 : i32, i32
  }
  func.func @transform_2(%arg0: i32) -> (i32, i32) {
    %c0_i32 = arith.constant 0 : i32
    %c0_i32_0 = arith.constant 0 : i32
    %c0_i32_1 = arith.constant 0 : i32
    return %c0_i32, %c0_i32_0 : i32, i32
  }
  func.func @transform_3(%arg0: i32) -> (i32, i32) {
    %c0_i32 = arith.constant 0 : i32
    %c0_i32_0 = arith.constant 0 : i32
    %c0_i32_1 = arith.constant 0 : i32
    return %c0_i32, %c0_i32_0 : i32, i32
  }
  func.func @transform_4(%arg0: i32) -> (i32, i32) {
    %c0_i32 = arith.constant 0 : i32
    %c0_i32_0 = arith.constant 0 : i32
    %c0_i32_1 = arith.constant 0 : i32
    return %c0_i32, %c0_i32_0 : i32, i32
  }
  func.func @transform_5(%arg0: i32) -> (i32, i32) {
    %c0_i32 = arith.constant 0 : i32
    %c0_i32_0 = arith.constant 0 : i32
    %c0_i32_1 = arith.constant 0 : i32
    return %c0_i32, %c0_i32_0 : i32, i32
  }
  func.func @transform_6(%arg0: i32) -> (i32, i32) {
    %c0_i32 = arith.constant 0 : i32
    %c0_i32_0 = arith.constant 0 : i32
    %c0_i32_1 = arith.constant 0 : i32
    return %c0_i32, %c0_i32_0 : i32, i32
  }
}

</mosaic_0001>

<sc_bundles>
// kernel: kernel.10.cloned.1.call-start
scs
__scs_entry_jumppad:
0x0: {  	(pc) =	sbr.rel $0x88, $3  }
0x1: {  	(tag) =	ssettag $0x0;
	lr =	simm.s32 $0x1  }
0x2: {  	[smem:$0x3F95] =	sst lr;
	_ =	strace $0xD0000000  }
0x3: {  	_ = 	snop  }
0x4: {  	_ = 	snop  }
0x5: {  	_ = 	snop  }
0x6: {  	_ = 	snop  }
0x7: {  	_ = 	snop  }
__scs_overlays_trampoline_lowered:
0x8: {  	[smem:$0x3FA4] =	sst s0  }
0x9: {  	[smem:$0x3FA5] =	sst s1  }
0xa: {  	[smem:$0x3FA6] =	sst s2  }
0xb: {  	[smem:$0x3FA7] =	sst s3  }
0xc: {  	[smem:$0x3FA8] =	sst s4  }
0xd: {  	[smem:$0x3FA9] =	sst s5  }
0xe: {  	[smem:$0x3FAA] =	sst s6  }
0xf: {  	[smem:$0x3FAB] =	sst s7  }
0x10: {  	[smem:$0x3FAC] =	sst s8  }
0x11: {  	[smem:$0x3FAD] =	sst s9;
	s0 =	simm.s32 @!p0 $0x0  }
0x12: {  	s1 =	sld [smem:$0x3F93];
	s0 =	simm.s32 @p0 $0x1  }
0x13: {  	[smem:$0x3FAE] =	sst s0;
	s0 =	simm.s32 @!p1 $0x0  }
0x14: {  	s2 =	sld [smem:$0x3F92];
	s0 =	simm.s32 @p1 $0x1  }
0x15: {  	[smem:$0x3FAF] =	sst s0;
	s0 =	simm.s32 @!p2 $0x0  }
0x16: {  	s3 =	sld [smem:$0x3FDB];
	s0 =	simm.s32 @p2 $0x1  }
0x17: {  	s4 =	simm.s32 $0x1BF5;
	[smem:$0x3FB1] =	sst s0  }
0x18: {  	s0 =	sld [smem:$0x3F94];
	_ =	swait.ge [sflag:s4], $0x0  }
0x19: {  	s7 =	sld [smem:$0x3F95]  }
0x1a: {  	s8 =	sadd.s32 $0xFFFFE003, lr  }
0x1b: {  	s9 =	sadd.s32 $0xFFFFFEF7, lr;
	s5 =	simm.s32 $0xFFFFFFFF;
	p2 =	slt.u32 s8, $0xFFFFF086  }
0x1c: {  	p1 =	slt.u32 s9, $0xF7A;
	s5 =	simm.s32 @!p2 $0x0  }
0x1d: {  	s5 =	simm.s32 @p1 $0x1;
	p0 =	seq.s32 s7, s2  }
0x1e: {  	s7 =	smul.u32 @!p0 $0xF7A, s2;
	p2 =	seq.s32 @!p0 s5, $0x0  }
0x1f: {  	s9 =	smul.u32 $0xF7A, s1;
	s8 =	simm.s32 @!p0 $0x1BF5;
	p2 =	por !p2, p0  }
0x20: {  	[sflag:s8] =	ssyncset.s32 @!p0 $0xFFFFF086;
	s6 =	sadd.s32 @!p0 s3, s7;
	s7 =	simm.s32 @!p0 $0x108  }
0x21: {  	s3 =	sadd.s32 s3, s9;
	s6 =	sadd.s32 @!p0 $0x88, s6;
	s7 =	simm.s32 @p2 $0x1082  }
0x22: {  	[simem:s7], [sflag:s8] =	dma.local @!p0 [hbm:s6], $0xF7A  }
0x23: {  	s9 =	sor.u32 $0xD0000000, s2;
	s6 =	simm.s32 $0x108;
	_ =	swait.ge @!p0 [sflag:s8], $0x0  }
0x24: {  	s3 =	sadd.s32 $0x88, s3;
	s6 =	simm.s32 @!p1 $0x1082;
	[sflag:s4] =	ssyncset.s32 $0xFFFFF086  }
0x25: {  	[simem:s6], [sflag:s4] =	dma.local [hbm:s3], $0xF7A  }
0x26: {  	[smem:$0x3F95] =	sst s1;
	(tag) =	ssettag s2;
	_ =	strace s9  }
0x27: {  	s1 =	sld [smem:$0x3FA5]  }
0x28: {  	s2 =	sld [smem:$0x3FA6]  }
0x29: {  	s4 =	sld [smem:$0x3FA8]  }
0x2a: {  	p0 =	seq.s32 s5, $0x0;
	s5 =	sld [smem:$0x3FA9]  }
0x2b: {  	s6 =	sld [smem:$0x3FAA]  }
0x2c: {  	s7 =	sld [smem:$0x3FAB]  }
0x2d: {  	s3 =	simm.s32 $0x108;
	s8 =	sld [smem:$0x3FAC]  }
0x2e: {  	s3 =	simm.s32 @!p0 $0x1082;
	s9 =	sld [smem:$0x3FAD]  }
0x2f: {  	lr =	sadd.s32 s0, s3;
	s0 =	sld [smem:$0x3FA4]  }
0x30: {  	s3 =	sld [smem:$0x3FA7]  }
0x31: {  	[smem:$0x3FB0] =	sst s10  }
0x32: {  	s10 =	sld [smem:$0x3FAE];
	_ =	sdelay $0x3  }
0x33: {  	p0 =	seq.s32 s10, $0x1;
	s10 =	sld [smem:$0x3FB0];
	_ =	sdelay $0x3  }
0x34: {  	[smem:$0x3FB0] =	sst s10  }
0x35: {  	s10 =	sld [smem:$0x3FAF];
	_ =	sdelay $0x3  }
0x36: {  	p1 =	seq.s32 s10, $0x1;
	s10 =	sld [smem:$0x3FB0];
	_ =	sdelay $0x3  }
0x37: {  	[smem:$0x3FB0] =	sst s10  }
0x38: {  	s10 =	sld [smem:$0x3FB1]  }
0x39: {  	_ = 	snop;
	(pc) =	sbr.ind lr, $3  }
0x3a: {  	_ = 	snop  }
0x3b: {  	_ = 	snop  }
0x3c: {  	p2 =	seq.s32 s10, $0x1;
	s10 =	sld [smem:$0x3FB0]  }
0x3d: {  	_ =	shalt  }
0x3e: {  	_ =	shalt  }
0x3f: {  	_ =	shalt  }
0x40: {  	_ =	shalt  }
0x41: {  	_ =	shalt  }
0x42: {  	_ =	shalt  }
0x43: {  	_ =	shalt  }
0x44: {  	_ =	shalt  }
0x45: {  	_ =	shalt  }
0x46: {  	_ =	shalt  }
0x47: {  	_ =	shalt  }
0x48: {  	_ =	shalt  }
0x49: {  	_ =	shalt  }
0x4a: {  	_ =	shalt  }
0x4b: {  	_ =	shalt  }
0x4c: {  	_ =	shalt  }
0x4d: {  	_ =	shalt  }
0x4e: {  	_ =	shalt  }
0x4f: {  	_ =	shalt  }
0x50: {  	_ =	shalt  }
0x51: {  	_ =	shalt  }
0x52: {  	_ =	shalt  }
0x53: {  	_ =	shalt  }
0x54: {  	_ =	shalt  }
0x55: {  	_ =	shalt  }
0x56: {  	_ =	shalt  }
0x57: {  	_ =	shalt  }
0x58: {  	_ =	shalt  }
0x59: {  	_ =	shalt  }
0x5a: {  	_ =	shalt  }
0x5b: {  	_ =	shalt  }
0x5c: {  	_ =	shalt  }
0x5d: {  	_ =	shalt  }
0x5e: {  	_ =	shalt  }
0x5f: {  	_ =	shalt  }
0x60: {  	_ =	shalt  }
0x61: {  	_ =	shalt  }
0x62: {  	_ =	shalt  }
0x63: {  	_ =	shalt  }
0x64: {  	_ =	shalt  }
0x65: {  	_ =	shalt  }
0x66: {  	_ =	shalt  }
0x67: {  	_ =	shalt  }
0x68: {  	_ =	shalt  }
0x69: {  	_ =	shalt  }
0x6a: {  	_ =	shalt  }
0x6b: {  	_ =	shalt  }
0x6c: {  	_ =	shalt  }
0x6d: {  	_ =	shalt  }
0x6e: {  	_ =	shalt  }
0x6f: {  	_ =	shalt  }
0x70: {  	_ =	shalt  }
0x71: {  	_ =	shalt  }
0x72: {  	_ =	shalt  }
0x73: {  	_ =	shalt  }
0x74: {  	_ =	shalt  }
0x75: {  	_ =	shalt  }
0x76: {  	_ =	shalt  }
0x77: {  	_ =	shalt  }
0x78: {  	_ =	shalt  }
0x79: {  	_ =	shalt  }
0x7a: {  	_ =	shalt  }
0x7b: {  	_ =	shalt  }
0x7c: {  	_ =	shalt  }
0x7d: {  	_ =	shalt  }
0x7e: {  	_ =	shalt  }
0x7f: {  	_ =	shalt  }
0x80: {  	_ =	shalt  }
0x81: {  	_ =	shalt  }
0x82: {  	_ =	shalt  }
0x83: {  	_ =	shalt  }
0x84: {  	_ =	shalt  }
0x85: {  	_ =	shalt  }
0x86: {  	_ =	shalt  }
0x87: {  	_ =	shalt  }
.Lfunc_end0:
.L_simem_size_0:
called_computation.1_lowered:
.L_overlay_start_0:
0x88: {  	s2 =	sld [smem:$0x3FD9]  }
0x89: {  	s3 =	sld [smem:$0x3FFE];
	_ =	sdelay $0x1  }
0x8a: {  	s1 =	srdreg.scid  }
0x8b: {  	s0 =	sand.u32 $0x1, s1  }
0x8c: {  	s16 =	sshll.u32 s0, $0xA;
	s2 =	sadd.s32 s3, s2  }
0x8d: {  	s2 =	sadd.s32 s2, s16  }
0x8e: {  	[smem:$0x3FBC] =	sst s2  }
0x8f: {  	_ = 	snop  }
0x90: {  	(tm) =	ssettm $0x1  }
0x91: {  	s17 =	sld [smem:$0x3FFB];
	_ =	sdelay $0x3  }
0x92: {  	_ =	strace s17  }
0x93: {  	s2 =	sld [smem:$0x3FFC];
	_ =	sdelay $0x3  }
0x94: {  	_ =	strace s2  }
0x95: {  	s2 =	sld [smem:$0x3FFD];
	_ =	sdelay $0x3  }
0x96: {  	_ =	strace s2  }
0x97: {  	_ =	strace $0x8FFFFFFF  }
0x98: {  	s18 =	sld [smem:$0x3FDB];
	_ =	sdelay $0x1  }
0x99: {  	s19 =	simm.s32 $_scs_section_size  }
0x9a: {  	s4 =	simm.s32 $_size__tile_overlayer_lowered;
	s5 =	simm.s32 $_tile_overlayer_lowered  }
0x9b: {  	s22 =	simm.s32 $0x1BFF;
	s21 =	sshll.u32 s5, $0x1;
	s2 =	sadd.s32 s19, s18  }
0x9c: {  	s6 =	simm.s32 $0x0;
	s20 =	sshll.u32 s4, $0x1;
	s4 =	sadd.s32 s21, s2  }
0x9d: {  	[timem:s6], [sflag:s22] =	dma.local [hbm:s4], s20  }
0x9e: {  	_ =	swait.ge [sflag:s22], s20  }
0x9f: {  	s3 =	ssub.s32 $0x0, s20;
	[sflag:s22] =	ssyncset.done $0x0  }
0xa0: {  	[sflag:s22] =	ssyncadd.s32 s3;
	_ =	sdelay $0x1  }
0xa1: {  	s23 =	simm.s32 $0x1B8B  }
0xa2: {  	_ =	swait.ge [sflag:s23], $0x1  }
0xa3: {  	[sflag:s23] =	ssyncset.done $0x0  }
0xa4: {  	s25 =	simm.s32 $0x1B8E;
	s24 =	sld [smem:$0x3FFE];
	[sflag:s23] =	ssyncadd.s32 $0xFFFFFFFF  }
0xa5: {  	s26 =	simm.s32 $execute0_lowered;
	[smem:$0x3FD2] =	sst s25  }
0xa6: {  	s4 =	sshll.u32 s26, $0x1;
	_ =	strace $0x80000046;
	[dreg:$0x1] =	wrdreg $0xFFFFFFFF  }
0xa7: {  	s28 =	simm.s32 $_size_execute0_lowered;
	s2 =	sadd.s32 s2, s4;
	[dreg:$0x0] =	wrdreg $0x0  }
0xa8: {  	s4 =	sshll.u32 s28, $0x1;
	[dreg:$0x2] =	wrdreg s2  }
0xa9: {  	[dreg:$0x3] =	wrdreg s4  }
0xaa: {  	[dreg:$0x4] =	wrdreg $0xC0  }
0xab: {  	_ =	task [dreg:s6], $0x5FFFF  }
0xac: {  	[dreg:$0x1] =	wrdreg $0xFFFFFFFF  }
0xad: {  	[dreg:$0x0] =	wrdreg $0x60  }
0xae: {  	[dreg:$0x2] =	wrdreg s24  }
0xaf: {  	[dreg:$0x3] =	wrdreg $0x0  }
0xb0: {  	[dreg:$0x4] =	wrdreg $0xA  }
0xb1: {  	_ =	task.clear_ibuf [dreg:s6], $0x5FFFF;
	_ =	strace $0x90000046  }
0xb2: {  	s29 =	simm.s32 $0xA;
	_ =	strace $0x80000048  }
0xb3: {  	_ =	swait.ge [sflag:s29], $0x1  }
0xb4: {  	[sflag:s29] =	ssyncadd.s32 $0xFFFFFFFF  }
0xb5: {  	_ =	strace $0x90000048  }
0xb6: {  	_ =	sfence  }
0xb7: {  	s30 =	sld [smem:$0x0];
	_ =	sdelay $0x2  }
0xb8: {  	s31 =	sshll.u32 s1, $0xD;
	s1 =	sshrl.u32 s1, $0x2  }
0xb9: {  	s3 =	sand.u32 $0x4000, s31;
	s1 =	sadd.s32 s1, s30  }
0xba: {  	s0 =	sor.u32 s3, s0;
	s1 =	sshll.u32 s1, $0x11  }
0xbb: {  	s0 =	sor.u32 s1, s0  }
0xbc: {  	s0 =	sadd.s32 $0x8F2B, s0  }
0xbd: {  	[sflag:s0] =	ssyncadd.remote.s32 $0x1  }
0xbe: {  	_ =	sfence.sel $0xFFFF  }
0xbf: {  	[dreg:$0x0] =	wrdreg $0xFFFFFFFF;
	(pc) =	sbr.abs _section_cstart, $3  }
0xc0: {  	[dreg:$0x1] =	wrdreg $0xFFFFFFFF  }
0xc1: {  	_ =	task.clear_ibuf [dreg:s6], $0x2FFFF;
	_ =	strace $0x9FFFFFFF  }
0xc2: {  	(tm) =	ssettm $0x7FFFFFFF  }
0xc3: {  	_ =	shalt  }
tec
execute0_lowered:
.L_overlay_start_1:
0x0: {  	(tag) =	ssettag $0x1  }
0x1: {  	s0 =	rddreg [dreg:$0x0]  }
0x2: {  	s1 =	rddreg [dreg:$0x1];
	s3 =	simm.s32 $0x0  }
0x3: {  	s2 =	srdreg.scid;
	s10 =	stileid.u32;
	s11 =	simm.s32 $0x80  }
0x4: {  	s12 =	simm.s32 $0x400;
	s13 =	simm.s32 $0xB00;
	s14 =	simm.s32 $0xC00  }
0x5: {  	s15 =	simm.s32 $0xD00;
	s16 =	simm.s32 $0x1;
	s17 =	simm.s32 $0x2  }
0x6: {  	s18 =	simm.s32 $0x3;
	s19 =	simm.s32 $0xE00;
	s23 =	simm.s32 $0xCE00  }
0x7: {  	s25 =	simm.s32 $0x10E00;
	s28 =	simm.s32 $0x14E00;
	s29 =	simm.s32 $0x4  }
0x8: {  	s30 =	simm.s32 $0x5;
	s31 =	simm.s32 $0x6;
	s20 =	simm.s32 $0x0  }
0x9: {  	[smem:$0x7FF] =	sst s3;
	s2 =	sand.u32 $0x1, s2;
	s5 =	sshll.u32 s10, $0x8  }
0xa: {  	s3 =	sadd.s32 $0x6A00, s0;
	p0 =	sne.s32 s10, $0x0;
	s4 =	sshll.u32 s2, $0xC  }
0xb: {  	_ =	strace $0x80000047;
	s2 =	ssub.s32 $0x2, s2;
	s4 =	sor.u32 s5, s4  }
0xc: {  	s10 =	sshrl.u32 @!p0 s1, $0x3;
	s26 =	sshrl.u32 s2, $0x1;
	s6 =	sadd.s32 s4, s0  }
0xd: {  	s4 =	sshll.u32 s4, $0x4;
	s2 =	ssub.s32 s2, s26;
	s26 =	simm.s32 $0xD80  }
0xe: {  	s0 =	sadd.s32 s4, s0;
	s4 =	sadd.s32 $0x4A00, s6;
	s5 =	sadd.s32 $0x4A10, s6  }
0xf: {  	s6 =	sadd.s32 $0x4A20, s6;
	s9 =	smax.u32 s2, $0x1;
	s2 =	simm.s32 $0x8  }
0x10: {  	s7 =	sadd.s32 $0x8000, s0;
	s8 =	sadd.s32 $0x8800, s0;
	s0 =	simm.s32 $0x7  }
.LBB2_1:
0x11: {  	s21 =	simm.s32 @!p0 $0x1C09  }
0x12: {  	[spmem:s10], [sflag:s21] =	dma.local @!p0 [hbm:s3], $0x1600  }
0x13: {  	s21 =	simm.s32 @!p0 $0x9  }
0x14: {  	_ =	swait.ge @!p0 [sflag:s21], $0x1600  }
0x15: {  	[sflag:s21] =	ssyncset.done @!p0 $0x0  }
0x16: {  	[sflag:s21] =	ssyncadd.s32 @!p0 $0xFFFFEA00  }
0x17: {  	[tilespmem:s13], [sflag:$0x1] =	stream.strided.gather [hbm4b:s4+s11], $0x100, s12, s11, $0x38;
	[tilespmem:$0x18E00] =	vst v63  }
0x18: {  	_ = 	snop  }
0x19: {  	[tilespmem:s14], [sflag:$0x2] =	stream.strided.gather [hbm4b:s5+s11], $0x100, s12, s11, $0x38;
	[tilespmem:$0x18E00] =	vst v63  }
0x1a: {  	_ = 	snop  }
0x1b: {  	[tilespmem:s15], [sflag:$0x3] =	stream.strided.gather [hbm4b:s6+s11], $0x100, s12, s11, $0x38;
	[tilespmem:$0x18E00] =	vst v63  }
0x1c: {  	_ =	swait.ge [sflag:s16], $0x100  }
0x1d: {  	[sflag:s16] =	ssyncset.done $0x0  }
0x1e: {  	[sflag:s16] =	ssyncadd.s32 $0xFFFFFF00  }
0x1f: {  	_ =	swait.ge [sflag:s17], $0x100  }
0x20: {  	[sflag:s17] =	ssyncset.done $0x0  }
0x21: {  	[sflag:s17] =	ssyncadd.s32 $0xFFFFFF00  }
0x22: {  	_ =	swait.ge [sflag:s18], $0x100  }
0x23: {  	[sflag:s18] =	ssyncset.done $0x0  }
0x24: {  	[sflag:s18] =	ssyncadd.s32 $0xFFFFFF00  }
0x25: {  	[bflag:$0x0] =	sbarrier.arrive $0xFFFF  }
0x26: {  	[tilespmem:s19], [sflag:$0x1] =	stream.indirect.gather [spmem:s1], $0x80, s13, s11, $0xb8;
	[tilespmem:$0x18E00] =	vst v63  }
0x27: {  	s22 =	simm.s32 $0x4E00  }
0x28: {  	[tilespmem:s22], [sflag:$0x2] =	stream.indirect.gather [spmem:s1], $0x80, s14, s11, $0xb8;
	[tilespmem:$0x18E00] =	vst v63  }
0x29: {  	s24 =	simm.s32 $0x8E00  }
0x2a: {  	[tilespmem:s24], [sflag:$0x3] =	stream.indirect.gather [spmem:s1], $0x80, s15, s11, $0xb8;
	[tilespmem:$0x18E00] =	vst v63  }
0x2b: {  	_ =	swait.ge [sflag:s16], $0x4000  }
0x2c: {  	[sflag:s16] =	ssyncset.done $0x0  }
0x2d: {  	[sflag:s16] =	ssyncadd.s32 $0xFFFFC000  }
0x2e: {  	_ =	swait.ge [sflag:s17], $0x4000  }
0x2f: {  	[sflag:s17] =	ssyncset.done $0x0  }
0x30: {  	[sflag:s17] =	ssyncadd.s32 $0xFFFFC000  }
0x31: {  	_ =	swait.ge [sflag:s18], $0x4000  }
0x32: {  	[sflag:s18] =	ssyncset.done $0x0  }
0x33: {  	s22 =	simm.s32 $0xB80;
	[sflag:s18] =	ssyncadd.s32 $0xFFFFC000  }
0x34: {  	[tilespmem:s23], [sflag:$0x4] =	stream.indirect.gather [spmem:s1], $0x80, s22, s11, $0xb8;
	[tilespmem:$0x18E00] =	vst v63  }
0x35: {  	s24 =	simm.s32 $0xC80  }
0x36: {  	[tilespmem:s25], [sflag:$0x5] =	stream.indirect.gather [spmem:s1], $0x80, s24, s11, $0xb8;
	[tilespmem:$0x18E00] =	vst v63  }
0x37: {  	s21 =	simm.s32 $0x0  }
0x38: {  	[tilespmem:s28], [sflag:$0x6] =	stream.indirect.gather [spmem:s1], $0x80, s26, s11, $0xb8;
	[tilespmem:$0x18E00] =	vst v63  }
0x39: {  	v5 =	vld [tilespmem:s21+$0x8E00]  }
0x3a: {  	v4 =	vld [tilespmem:s21+$0x8E10]  }
0x3b: {  	v3 =	vld [tilespmem:s21+$0x8E20]  }
0x3c: {  	v2 =	vld [tilespmem:s21+$0x8E30]  }
0x3d: {  	v1 =	vld [tilespmem:s21+$0x8E40]  }
0x3e: {  	v0 =	vld [tilespmem:s21+$0x8E50]  }
0x3f: {  	v12 =	vld [tilespmem:s21+$0x4E00]  }
0x40: {  	v17 =	vld [tilespmem:s21+$0x4E10]  }
0x41: {  	v11 =	vld [tilespmem:s21+$0x4E20]  }
0x42: {  	v10 =	vld [tilespmem:s21+$0x4E30]  }
0x43: {  	v9 =	vld [tilespmem:s21+$0x4E40]  }
0x44: {  	v8 =	vld [tilespmem:s21+$0x4E50]  }
0x45: {  	v7 =	vld [tilespmem:s21+$0x4E60]  }
0x46: {  	v6 =	vld [tilespmem:s21+$0x4E70]  }
0x47: {  	v18 =	vld [tilespmem:s21+$0xE00]  }
0x48: {  	v19 =	vld [tilespmem:s21+$0xE10]  }
0x49: {  	v16 =	vld [tilespmem:s21+$0xE20]  }
0x4a: {  	v15 =	vld [tilespmem:s21+$0xE30]  }
0x4b: {  	v14 =	vld [tilespmem:s21+$0xE40]  }
0x4c: {  	v13 =	vld [tilespmem:s21+$0xE50];
	v18 =	vadd.f32 v12, v18  }
0x4d: {  	s22 =	simm.s32 $0x200;
	v17 =	vadd.f32 v17, v19;
	v12 =	vld [tilespmem:s21+$0xE60]  }
.LBB2_2:
0x4e: {  	p1 =	sne.s32 s22, $0xFE00;
	v5 =	vadd.f32 v5, v18;
	v11 =	vadd.f32 v11, v16;
	v16 =	vld [tilespmem:s21+$0xE70]  }
0x4f: {  	v4 =	vadd.f32 v4, v17;
	v10 =	vadd.f32 v10, v15;
	v15 =	vld [tilespmem:s21+$0x8E60]  }
0x50: {  	s24 =	sshra.s32 s22, $0x2;
	[tilespmem:s21+$0xE00] =	vst v5;
	v3 =	vadd.f32 v3, v11;
	v9 =	vadd.f32 v9, v14;
	v11 =	vld [tilespmem:s21+$0x8E70]  }
0x51: {  	v5 =	vld [tilespmem:s24+$0x8E00];
	[tilespmem:s21+$0xE10] =	vst v4;
	v2 =	vadd.f32 v2, v10;
	v8 =	vadd.f32 v8, v13  }
0x52: {  	v4 =	vld [tilespmem:s24+$0x8E10];
	[tilespmem:s21+$0xE20] =	vst v3;
	v1 =	vadd.f32 v1, v9;
	v7 =	vadd.f32 v7, v12  }
0x53: {  	v3 =	vld [tilespmem:s24+$0x8E20];
	[tilespmem:s21+$0xE30] =	vst v2;
	v0 =	vadd.f32 v0, v8;
	v6 =	vadd.f32 v6, v16  }
0x54: {  	v2 =	vld [tilespmem:s24+$0x8E30];
	[tilespmem:s21+$0xE40] =	vst v1;
	v7 =	vadd.f32 v15, v7  }
0x55: {  	v1 =	vld [tilespmem:s24+$0x8E40];
	[tilespmem:s21+$0xE50] =	vst v0;
	v6 =	vadd.f32 v11, v6  }
0x56: {  	v0 =	vld [tilespmem:s24+$0x8E50];
	[tilespmem:s21+$0xE60] =	vst v7  }
0x57: {  	v12 =	vld [tilespmem:s24+$0x4E00];
	[tilespmem:s21+$0xE70] =	vst v6;
	s21 =	smov.u32 s24  }
0x58: {  	v17 =	vld [tilespmem:s21+$0x4E10]  }
0x59: {  	v11 =	vld [tilespmem:s21+$0x4E20]  }
0x5a: {  	v10 =	vld [tilespmem:s21+$0x4E30]  }
0x5b: {  	v9 =	vld [tilespmem:s21+$0x4E40]  }
0x5c: {  	v8 =	vld [tilespmem:s21+$0x4E50]  }
0x5d: {  	v7 =	vld [tilespmem:s21+$0x4E60]  }
0x5e: {  	v6 =	vld [tilespmem:s21+$0x4E70]  }
0x5f: {  	v13 =	vld [tilespmem:s21+$0xE00]  }
0x60: {  	v19 =	vld [tilespmem:s21+$0xE10]  }
.Ltmp0:
0x61: {  	v16 =	vld [tilespmem:s21+$0xE20];
	(pc) =	sbr.rel @p1 .LBB2_2-.Ltmp0, $4  }
0x62: {  	v15 =	vld [tilespmem:s21+$0xE30]  }
0x63: {  	v14 =	vld [tilespmem:s21+$0xE40]  }
0x64: {  	v18 =	vadd.f32 v12, v13;
	v13 =	vld [tilespmem:s21+$0xE50]  }
0x65: {  	s22 =	sadd.s32 $0x200, s22;
	v17 =	vadd.f32 v17, v19;
	v12 =	vld [tilespmem:s21+$0xE60]  }
0x66: {  	v5 =	vadd.f32 v5, v18;
	v18 =	vld [tilespmem:s21+$0xE70];
	v11 =	vadd.f32 v11, v16  }
0x67: {  	v16 =	vld [tilespmem:s21+$0x8E60];
	v4 =	vadd.f32 v4, v17;
	v10 =	vadd.f32 v10, v15  }
0x68: {  	[tilespmem:s21+$0xE00] =	vst v5;
	v3 =	vadd.f32 v3, v11;
	v5 =	vadd.f32 v9, v14;
	v9 =	vld [tilespmem:s21+$0x8E70]  }
0x69: {  	[tilespmem:s21+$0xE10] =	vst v4;
	v2 =	vadd.f32 v2, v10;
	v4 =	vadd.f32 v8, v13  }
0x6a: {  	[tilespmem:s21+$0xE20] =	vst v3;
	v1 =	vadd.f32 v1, v5;
	v3 =	vadd.f32 v7, v12  }
0x6b: {  	[tilespmem:s21+$0xE30] =	vst v2;
	v0 =	vadd.f32 v0, v4;
	v2 =	vadd.f32 v6, v18  }
0x6c: {  	[tilespmem:s21+$0xE40] =	vst v1;
	v1 =	vadd.f32 v16, v3  }
0x6d: {  	[tilespmem:s21+$0xE50] =	vst v0;
	v0 =	vadd.f32 v9, v2  }
0x6e: {  	[tilespmem:s21+$0xE60] =	vst v1  }
0x6f: {  	s24 =	simm.s32 $0x0;
	[tilespmem:s21+$0xE70] =	vst v0  }
0x70: {  	[hbm4b:s7+s24] =	stream.linear.scatter [tilespmem:s19], [sflag:$0x7], $0x4000, $0x38;
	[tilespmem:$0x18E00] =	vst v63  }
0x71: {  	_ =	swait.ge [sflag:s29], $0x4000  }
0x72: {  	[sflag:s29] =	ssyncset.done $0x0  }
0x73: {  	[sflag:s29] =	ssyncadd.s32 $0xFFFFC000  }
0x74: {  	_ =	swait.ge [sflag:s30], $0x4000  }
0x75: {  	[sflag:s30] =	ssyncset.done $0x0  }
0x76: {  	[sflag:s30] =	ssyncadd.s32 $0xFFFFC000  }
0x77: {  	_ =	swait.ge [sflag:s31], $0x4000  }
0x78: {  	[sflag:s31] =	ssyncset.done $0x0  }
0x79: {  	s21 =	simm.s32 $0x0;
	[sflag:s31] =	ssyncadd.s32 $0xFFFFC000  }
0x7a: {  	v5 =	vld [tilespmem:s21+$0x14E00]  }
0x7b: {  	v4 =	vld [tilespmem:s21+$0x14E10]  }
0x7c: {  	v3 =	vld [tilespmem:s21+$0x14E20]  }
0x7d: {  	v2 =	vld [tilespmem:s21+$0x14E30]  }
0x7e: {  	v1 =	vld [tilespmem:s21+$0x14E40]  }
0x7f: {  	v0 =	vld [tilespmem:s21+$0x14E50]  }
0x80: {  	v12 =	vld [tilespmem:s21+$0x10E00]  }
0x81: {  	v17 =	vld [tilespmem:s21+$0x10E10]  }
0x82: {  	v11 =	vld [tilespmem:s21+$0x10E20]  }
0x83: {  	v10 =	vld [tilespmem:s21+$0x10E30]  }
0x84: {  	v9 =	vld [tilespmem:s21+$0x10E40]  }
0x85: {  	v8 =	vld [tilespmem:s21+$0x10E50]  }
0x86: {  	v7 =	vld [tilespmem:s21+$0x10E60]  }
0x87: {  	v6 =	vld [tilespmem:s21+$0x10E70]  }
0x88: {  	v18 =	vld [tilespmem:s21+$0xCE00]  }
0x89: {  	v19 =	vld [tilespmem:s21+$0xCE10]  }
0x8a: {  	v16 =	vld [tilespmem:s21+$0xCE20]  }
0x8b: {  	v15 =	vld [tilespmem:s21+$0xCE30]  }
0x8c: {  	v14 =	vld [tilespmem:s21+$0xCE40]  }
0x8d: {  	v13 =	vld [tilespmem:s21+$0xCE50];
	v18 =	vadd.f32 v12, v18  }
0x8e: {  	s22 =	simm.s32 $0x200;
	v17 =	vadd.f32 v17, v19;
	v12 =	vld [tilespmem:s21+$0xCE60]  }
.LBB2_4:
0x8f: {  	p1 =	sne.s32 s22, $0xFE00;
	v5 =	vadd.f32 v5, v18;
	v11 =	vadd.f32 v11, v16;
	v16 =	vld [tilespmem:s21+$0xCE70]  }
0x90: {  	v4 =	vadd.f32 v4, v17;
	v10 =	vadd.f32 v10, v15;
	v15 =	vld [tilespmem:s21+$0x14E60]  }
0x91: {  	s24 =	sshra.s32 s22, $0x2;
	[tilespmem:s21+$0xCE00] =	vst v5;
	v3 =	vadd.f32 v3, v11;
	v9 =	vadd.f32 v9, v14;
	v11 =	vld [tilespmem:s21+$0x14E70]  }
0x92: {  	v5 =	vld [tilespmem:s24+$0x14E00];
	[tilespmem:s21+$0xCE10] =	vst v4;
	v2 =	vadd.f32 v2, v10;
	v8 =	vadd.f32 v8, v13  }
0x93: {  	v4 =	vld [tilespmem:s24+$0x14E10];
	[tilespmem:s21+$0xCE20] =	vst v3;
	v1 =	vadd.f32 v1, v9;
	v7 =	vadd.f32 v7, v12  }
0x94: {  	v3 =	vld [tilespmem:s24+$0x14E20];
	[tilespmem:s21+$0xCE30] =	vst v2;
	v0 =	vadd.f32 v0, v8;
	v6 =	vadd.f32 v6, v16  }
0x95: {  	v2 =	vld [tilespmem:s24+$0x14E30];
	[tilespmem:s21+$0xCE40] =	vst v1;
	v7 =	vadd.f32 v15, v7  }
0x96: {  	v1 =	vld [tilespmem:s24+$0x14E40];
	[tilespmem:s21+$0xCE50] =	vst v0;
	v6 =	vadd.f32 v11, v6  }
0x97: {  	v0 =	vld [tilespmem:s24+$0x14E50];
	[tilespmem:s21+$0xCE60] =	vst v7  }
0x98: {  	v12 =	vld [tilespmem:s24+$0x10E00];
	[tilespmem:s21+$0xCE70] =	vst v6;
	s21 =	smov.u32 s24  }
0x99: {  	v17 =	vld [tilespmem:s21+$0x10E10]  }
0x9a: {  	v11 =	vld [tilespmem:s21+$0x10E20]  }
0x9b: {  	v10 =	vld [tilespmem:s21+$0x10E30]  }
0x9c: {  	v9 =	vld [tilespmem:s21+$0x10E40]  }
0x9d: {  	v8 =	vld [tilespmem:s21+$0x10E50]  }
0x9e: {  	v7 =	vld [tilespmem:s21+$0x10E60]  }
0x9f: {  	v6 =	vld [tilespmem:s21+$0x10E70]  }
0xa0: {  	v13 =	vld [tilespmem:s21+$0xCE00]  }
0xa1: {  	v19 =	vld [tilespmem:s21+$0xCE10]  }
.Ltmp1:
0xa2: {  	v16 =	vld [tilespmem:s21+$0xCE20];
	(pc) =	sbr.rel @p1 .LBB2_4-.Ltmp1, $4  }
0xa3: {  	v15 =	vld [tilespmem:s21+$0xCE30]  }
0xa4: {  	v14 =	vld [tilespmem:s21+$0xCE40]  }
0xa5: {  	v18 =	vadd.f32 v12, v13;
	v13 =	vld [tilespmem:s21+$0xCE50]  }
0xa6: {  	s22 =	sadd.s32 $0x200, s22;
	v17 =	vadd.f32 v17, v19;
	v12 =	vld [tilespmem:s21+$0xCE60]  }
0xa7: {  	v5 =	vadd.f32 v5, v18;
	v55 =	vld [tilespmem:s21+$0xCE70];
	v11 =	vadd.f32 v11, v16  }
0xa8: {  	v56 =	vld [tilespmem:s21+$0x14E60];
	v4 =	vadd.f32 v4, v17;
	v10 =	vadd.f32 v10, v15  }
0xa9: {  	v58 =	vld [tilespmem:s21+$0x14E70];
	[tilespmem:s21+$0xCE00] =	vst v5;
	v3 =	vadd.f32 v3, v11;
	v57 =	vadd.f32 v9, v14  }
0xaa: {  	[tilespmem:s21+$0xCE10] =	vst v4;
	v2 =	vadd.f32 v2, v10;
	v59 =	vadd.f32 v8, v13  }
0xab: {  	[tilespmem:s21+$0xCE20] =	vst v3;
	v1 =	vadd.f32 v1, v57;
	v60 =	vadd.f32 v7, v12  }
0xac: {  	[tilespmem:s21+$0xCE30] =	vst v2;
	v0 =	vadd.f32 v0, v59;
	v61 =	vadd.f32 v6, v55  }
0xad: {  	[tilespmem:s21+$0xCE40] =	vst v1;
	v62 =	vadd.f32 v56, v60  }
0xae: {  	[tilespmem:s21+$0xCE50] =	vst v0;
	v63 =	vadd.f32 v58, v61  }
0xaf: {  	[tilespmem:s21+$0xCE60] =	vst v62  }
0xb0: {  	s24 =	simm.s32 $0x0;
	s20 =	sadd.s32 $0x1, s20;
	[tilespmem:s21+$0xCE70] =	vst v63  }
0xb1: {  	[hbm4b:s8+s24] =	stream.linear.scatter [tilespmem:s23], [sflag:$0x8], $0x4000, $0x38;
	[tilespmem:$0x18E00] =	vst v63  }
0xb2: {  	p1 =	sne.s32 s20, s9;
	_ =	swait.ge [sflag:s0], $0x4000  }
.Ltmp2:
0xb3: {  	[sflag:s0] =	ssyncset.done $0x0;
	(pc) =	sbr.rel @p1 .LBB2_1-.Ltmp2, $4  }
0xb4: {  	[sflag:s0] =	ssyncadd.s32 $0xFFFFC000  }
0xb5: {  	_ =	swait.ge [sflag:s2], $0x4000  }
0xb6: {  	[sflag:s2] =	ssyncset.done $0x0  }
0xb7: {  	[sflag:s2] =	ssyncadd.s32 $0xFFFFC000  }
0xb8: {  	_ =	sfence.sel $0x180000  }
0xb9: {  	[bflag:$0x0] =	sbarrier.arrive $0xFFFF  }
0xba: {  	_ =	strace $0x90000047  }
0xbb: {  	[bflag:$0x2] =	sbarrier.arrive $0xFFFF  }
0xbc: {  	s0 =	rddreg [dreg:$0x2]  }
0xbd: {  	s0 =	sadd.s32 @!p0 $0x100000, s0  }
0xbe: {  	[sflag:s0] =	ssyncadd.tile.s32 @!p0 $0x1;
	_ =	shalt  }
.Lfunc_end2:
_tile_overlayer_lowered:
.L_overlay_start_2:
0xbf: {  	(tag) =	ssettag $0x2  }
0xc0: {  	s0 =	rddreg [dreg:$0x0];
	s2 =	stileid.u32  }
0xc1: {  	s1 =	rddreg [dreg:$0x1];
	p0 =	sne.s32 s2, $0x0  }
0xc2: {  	s3 =	rddreg [dreg:$0x2];
	[bflag:$0x3] =	sbarrier.arrive $0xFFFF;
	s2 =	simm.s32 @!p0 $0x1C09  }
0xc3: {  	[timem:s3], [sflag:s2] =	dma.local @!p0 [hbm:s0], s1  }
0xc4: {  	s0 =	simm.s32 @!p0 $0x9  }
0xc5: {  	_ =	swait.ge @!p0 [sflag:s0], s1  }
0xc6: {  	s1 =	ssub.s32 @!p0 $0x0, s1;
	[sflag:s0] =	ssyncset.done @!p0 $0x0  }
0xc7: {  	[sflag:s0] =	ssyncadd.s32 @!p0 s1  }
0xc8: {  	[bflag:$0x3] =	sbarrier.arrive $0xFFFF  }
0xc9: {  	_ =	shalt  }

// kernel: kernel.7.cloned.1.call-start
scs
__scs_entry_jumppad:
0x0: {  	(pc) =	sbr.rel $0x88, $3  }
0x1: {  	(tag) =	ssettag $0x0;
	lr =	simm.s32 $0x1  }
0x2: {  	[smem:$0x3F95] =	sst lr;
	_ =	strace $0xD0000000  }
0x3: {  	_ = 	snop  }
0x4: {  	_ = 	snop  }
0x5: {  	_ = 	snop  }
0x6: {  	_ = 	snop  }
0x7: {  	_ = 	snop  }
__scs_overlays_trampoline_lowered:
0x8: {  	[smem:$0x3FA4] =	sst s0  }
0x9: {  	[smem:$0x3FA5] =	sst s1  }
0xa: {  	[smem:$0x3FA6] =	sst s2  }
0xb: {  	[smem:$0x3FA7] =	sst s3  }
0xc: {  	[smem:$0x3FA8] =	sst s4  }
0xd: {  	[smem:$0x3FA9] =	sst s5  }
0xe: {  	[smem:$0x3FAA] =	sst s6  }
0xf: {  	[smem:$0x3FAB] =	sst s7  }
0x10: {  	[smem:$0x3FAC] =	sst s8  }
0x11: {  	[smem:$0x3FAD] =	sst s9;
	s0 =	simm.s32 @!p0 $0x0  }
0x12: {  	s1 =	sld [smem:$0x3F93];
	s0 =	simm.s32 @p0 $0x1  }
0x13: {  	[smem:$0x3FAE] =	sst s0;
	s0 =	simm.s32 @!p1 $0x0  }
0x14: {  	s2 =	sld [smem:$0x3F92];
	s0 =	simm.s32 @p1 $0x1  }
0x15: {  	[smem:$0x3FAF] =	sst s0;
	s0 =	simm.s32 @!p2 $0x0  }
0x16: {  	s3 =	sld [smem:$0x3FDB];
	s0 =	simm.s32 @p2 $0x1  }
0x17: {  	s4 =	simm.s32 $0x1BF5;
	[smem:$0x3FB1] =	sst s0  }
0x18: {  	s0 =	sld [smem:$0x3F94];
	_ =	swait.ge [sflag:s4], $0x0  }
0x19: {  	s7 =	sld [smem:$0x3F95]  }
0x1a: {  	s8 =	sadd.s32 $0xFFFFE003, lr  }
0x1b: {  	s9 =	sadd.s32 $0xFFFFFEF7, lr;
	s5 =	simm.s32 $0xFFFFFFFF;
	p2 =	slt.u32 s8, $0xFFFFF086  }
0x1c: {  	p1 =	slt.u32 s9, $0xF7A;
	s5 =	simm.s32 @!p2 $0x0  }
0x1d: {  	s5 =	simm.s32 @p1 $0x1;
	p0 =	seq.s32 s7, s2  }
0x1e: {  	s7 =	smul.u32 @!p0 $0xF7A, s2;
	p2 =	seq.s32 @!p0 s5, $0x0  }
0x1f: {  	s9 =	smul.u32 $0xF7A, s1;
	s8 =	simm.s32 @!p0 $0x1BF5;
	p2 =	por !p2, p0  }
0x20: {  	[sflag:s8] =	ssyncset.s32 @!p0 $0xFFFFF086;
	s6 =	sadd.s32 @!p0 s3, s7;
	s7 =	simm.s32 @!p0 $0x108  }
0x21: {  	s3 =	sadd.s32 s3, s9;
	s6 =	sadd.s32 @!p0 $0x88, s6;
	s7 =	simm.s32 @p2 $0x1082  }
0x22: {  	[simem:s7], [sflag:s8] =	dma.local @!p0 [hbm:s6], $0xF7A  }
0x23: {  	s9 =	sor.u32 $0xD0000000, s2;
	s6 =	simm.s32 $0x108;
	_ =	swait.ge @!p0 [sflag:s8], $0x0  }
0x24: {  	s3 =	sadd.s32 $0x88, s3;
	s6 =	simm.s32 @!p1 $0x1082;
	[sflag:s4] =	ssyncset.s32 $0xFFFFF086  }
0x25: {  	[simem:s6], [sflag:s4] =	dma.local [hbm:s3], $0xF7A  }
0x26: {  	[smem:$0x3F95] =	sst s1;
	(tag) =	ssettag s2;
	_ =	strace s9  }
0x27: {  	s1 =	sld [smem:$0x3FA5]  }
0x28: {  	s2 =	sld [smem:$0x3FA6]  }
0x29: {  	s4 =	sld [smem:$0x3FA8]  }
0x2a: {  	p0 =	seq.s32 s5, $0x0;
	s5 =	sld [smem:$0x3FA9]  }
0x2b: {  	s6 =	sld [smem:$0x3FAA]  }
0x2c: {  	s7 =	sld [smem:$0x3FAB]  }
0x2d: {  	s3 =	simm.s32 $0x108;
	s8 =	sld [smem:$0x3FAC]  }
0x2e: {  	s3 =	simm.s32 @!p0 $0x1082;
	s9 =	sld [smem:$0x3FAD]  }
0x2f: {  	lr =	sadd.s32 s0, s3;
	s0 =	sld [smem:$0x3FA4]  }
0x30: {  	s3 =	sld [smem:$0x3FA7]  }
0x31: {  	[smem:$0x3FB0] =	sst s10  }
0x32: {  	s10 =	sld [smem:$0x3FAE];
	_ =	sdelay $0x3  }
0x33: {  	p0 =	seq.s32 s10, $0x1;
	s10 =	sld [smem:$0x3FB0];
	_ =	sdelay $0x3  }
0x34: {  	[smem:$0x3FB0] =	sst s10  }
0x35: {  	s10 =	sld [smem:$0x3FAF];
	_ =	sdelay $0x3  }
0x36: {  	p1 =	seq.s32 s10, $0x1;
	s10 =	sld [smem:$0x3FB0];
	_ =	sdelay $0x3  }
0x37: {  	[smem:$0x3FB0] =	sst s10  }
0x38: {  	s10 =	sld [smem:$0x3FB1]  }
0x39: {  	_ = 	snop;
	(pc) =	sbr.ind lr, $3  }
0x3a: {  	_ = 	snop  }
0x3b: {  	_ = 	snop  }
0x3c: {  	p2 =	seq.s32 s10, $0x1;
	s10 =	sld [smem:$0x3FB0]  }
0x3d: {  	_ =	shalt  }
0x3e: {  	_ =	shalt  }
0x3f: {  	_ =	shalt  }
0x40: {  	_ =	shalt  }
0x41: {  	_ =	shalt  }
0x42: {  	_ =	shalt  }
0x43: {  	_ =	shalt  }
0x44: {  	_ =	shalt  }
0x45: {  	_ =	shalt  }
0x46: {  	_ =	shalt  }
0x47: {  	_ =	shalt  }
0x48: {  	_ =	shalt  }
0x49: {  	_ =	shalt  }
0x4a: {  	_ =	shalt  }
0x4b: {  	_ =	shalt  }
0x4c: {  	_ =	shalt  }
0x4d: {  	_ =	shalt  }
0x4e: {  	_ =	shalt  }
0x4f: {  	_ =	shalt  }
0x50: {  	_ =	shalt  }
0x51: {  	_ =	shalt  }
0x52: {  	_ =	shalt  }
0x53: {  	_ =	shalt  }
0x54: {  	_ =	shalt  }
0x55: {  	_ =	shalt  }
0x56: {  	_ =	shalt  }
0x57: {  	_ =	shalt  }
0x58: {  	_ =	shalt  }
0x59: {  	_ =	shalt  }
0x5a: {  	_ =	shalt  }
0x5b: {  	_ =	shalt  }
0x5c: {  	_ =	shalt  }
0x5d: {  	_ =	shalt  }
0x5e: {  	_ =	shalt  }
0x5f: {  	_ =	shalt  }
0x60: {  	_ =	shalt  }
0x61: {  	_ =	shalt  }
0x62: {  	_ =	shalt  }
0x63: {  	_ =	shalt  }
0x64: {  	_ =	shalt  }
0x65: {  	_ =	shalt  }
0x66: {  	_ =	shalt  }
0x67: {  	_ =	shalt  }
0x68: {  	_ =	shalt  }
0x69: {  	_ =	shalt  }
0x6a: {  	_ =	shalt  }
0x6b: {  	_ =	shalt  }
0x6c: {  	_ =	shalt  }
0x6d: {  	_ =	shalt  }
0x6e: {  	_ =	shalt  }
0x6f: {  	_ =	shalt  }
0x70: {  	_ =	shalt  }
0x71: {  	_ =	shalt  }
0x72: {  	_ =	shalt  }
0x73: {  	_ =	shalt  }
0x74: {  	_ =	shalt  }
0x75: {  	_ =	shalt  }
0x76: {  	_ =	shalt  }
0x77: {  	_ =	shalt  }
0x78: {  	_ =	shalt  }
0x79: {  	_ =	shalt  }
0x7a: {  	_ =	shalt  }
0x7b: {  	_ =	shalt  }
0x7c: {  	_ =	shalt  }
0x7d: {  	_ =	shalt  }
0x7e: {  	_ =	shalt  }
0x7f: {  	_ =	shalt  }
0x80: {  	_ =	shalt  }
0x81: {  	_ =	shalt  }
0x82: {  	_ =	shalt  }
0x83: {  	_ =	shalt  }
0x84: {  	_ =	shalt  }
0x85: {  	_ =	shalt  }
0x86: {  	_ =	shalt  }
0x87: {  	_ =	shalt  }
.Lfunc_end0:
.L_simem_size_0:
called_computation_lowered:
.L_overlay_start_0:
0x88: {  	s2 =	sld [smem:$0x3FD9]  }
0x89: {  	s3 =	sld [smem:$0x3FFE];
	_ =	sdelay $0x1  }
0x8a: {  	s1 =	srdreg.scid  }
0x8b: {  	s0 =	sand.u32 $0x1, s1  }
0x8c: {  	s17 =	sshll.u32 s0, $0xA;
	s2 =	sadd.s32 s3, s2  }
0x8d: {  	s2 =	sadd.s32 s2, s17  }
0x8e: {  	[smem:$0x3FBC] =	sst s2  }
0x8f: {  	_ = 	snop  }
0x90: {  	(tm) =	ssettm $0x1  }
0x91: {  	s18 =	sld [smem:$0x3FFB];
	_ =	sdelay $0x3  }
0x92: {  	_ =	strace s18  }
0x93: {  	s2 =	sld [smem:$0x3FFC];
	_ =	sdelay $0x3  }
0x94: {  	_ =	strace s2  }
0x95: {  	s2 =	sld [smem:$0x3FFD];
	_ =	sdelay $0x3  }
0x96: {  	_ =	strace s2  }
0x97: {  	_ =	strace $0x8FFFFFFF  }
0x98: {  	s19 =	sld [smem:$0x3FDB];
	_ =	sdelay $0x1  }
0x99: {  	s20 =	simm.s32 $_scs_section_size  }
0x9a: {  	s4 =	simm.s32 $_size__tile_overlayer_lowered;
	s5 =	simm.s32 $_tile_overlayer_lowered  }
0x9b: {  	s6 =	simm.s32 $0x1BFF;
	s21 =	sshll.u32 s5, $0x1;
	s3 =	sadd.s32 s20, s19  }
0x9c: {  	s22 =	simm.s32 $0x0;
	s4 =	sshll.u32 s4, $0x1;
	s5 =	sadd.s32 s21, s3  }
0x9d: {  	[timem:s22], [sflag:s6] =	dma.local [hbm:s5], s4  }
0x9e: {  	_ =	swait.ge [sflag:s6], s4  }
0x9f: {  	s4 =	ssub.s32 $0x0, s4;
	[sflag:s6] =	ssyncset.done $0x0  }
0xa0: {  	[sflag:s6] =	ssyncadd.s32 s4;
	_ =	sdelay $0x1  }
0xa1: {  	s23 =	simm.s32 $0x1B8B  }
0xa2: {  	_ =	swait.ge [sflag:s23], $0x1  }
0xa3: {  	[sflag:s23] =	ssyncset.done $0x0  }
0xa4: {  	[sflag:s23] =	ssyncadd.s32 $0xFFFFFFFF  }
0xa5: {  	s4 =	sld [smem:$0x0]  }
0xa6: {  	s5 =	sand.u32 $0xFFFFFFFE, s1  }
0xa7: {  	p0 =	sne.s32 s1, s5  }
0xa8: {  	s5 =	sshll.u32 @p0 s5, $0xE  }
0xa9: {  	s5 =	sadd.s32 @p0 $0x11B8D, s5;
	s6 =	sshll.u32 @p0 s4, $0x11  }
0xaa: {  	s5 =	sor.u32 @p0 s6, s5  }
0xab: {  	[sflag:s5] =	ssyncadd.remote.s32 @p0 $0x1;
	_ =	sdelay $0x1  }
0xac: {  	s5 =	simm.s32 @p0 $0x1B8D  }
0xad: {  	_ =	swait.eq @p0 [sflag:s5], $0x1  }
0xae: {  	[sflag:s5] =	ssyncadd.s32 @p0 $0xFFFFFFFF  }
0xaf: {  	s6 =	sshll.u32 @!p0 s1, $0xE  }
0xb0: {  	s6 =	sor.u32 @!p0 $0x4000, s6;
	s5 =	simm.s32 @!p0 $0x1B8D  }
0xb1: {  	s4 =	sshll.u32 @!p0 s4, $0x11;
	s6 =	sadd.s32 @!p0 $0x11B8D, s6;
	_ =	swait.eq @!p0 [sflag:s5], $0x1  }
0xb2: {  	s4 =	sor.u32 @!p0 s4, s6;
	[sflag:s5] =	ssyncadd.s32 @!p0 $0xFFFFFFFF  }
0xb3: {  	s25 =	simm.s32 $0x1B8E;
	s24 =	sld [smem:$0x3FFE];
	[sflag:s4] =	ssyncadd.remote.s32 @!p0 $0x1  }
0xb4: {  	s26 =	simm.s32 $execute0_lowered;
	[smem:$0x3FD2] =	sst s25  }
0xb5: {  	s5 =	sshll.u32 s26, $0x1;
	_ =	strace $0x80000049;
	[dreg:$0x1] =	wrdreg $0xFFFFFFFF  }
0xb6: {  	s28 =	simm.s32 $_size_execute0_lowered;
	s3 =	sadd.s32 s3, s5;
	[dreg:$0x0] =	wrdreg $0x0  }
0xb7: {  	s5 =	sshll.u32 s28, $0x1;
	[dreg:$0x2] =	wrdreg s3  }
0xb8: {  	[dreg:$0x3] =	wrdreg s5  }
0xb9: {  	[dreg:$0x4] =	wrdreg $0xC0  }
0xba: {  	_ =	task [dreg:s22], $0x5FFFF  }
0xbb: {  	[dreg:$0x1] =	wrdreg $0xFFFFFFFF  }
0xbc: {  	[dreg:$0x0] =	wrdreg $0x60  }
0xbd: {  	[dreg:$0x2] =	wrdreg s24  }
0xbe: {  	[dreg:$0x3] =	wrdreg $0x0  }
0xbf: {  	[dreg:$0x4] =	wrdreg $0x9  }
0xc0: {  	_ =	task.clear_ibuf [dreg:s22], $0x5FFFF;
	_ =	strace $0x90000049  }
0xc1: {  	s29 =	simm.s32 $0x9;
	_ =	strace $0x8000004B  }
0xc2: {  	_ =	swait.ge [sflag:s29], $0x1  }
0xc3: {  	[sflag:s29] =	ssyncadd.s32 $0xFFFFFFFF  }
0xc4: {  	_ =	strace $0x9000004B  }
0xc5: {  	_ =	sfence  }
0xc6: {  	s30 =	sld [smem:$0x0];
	_ =	sdelay $0x2  }
0xc7: {  	s31 =	sshll.u32 s1, $0xD;
	s1 =	sshrl.u32 s1, $0x2  }
0xc8: {  	s4 =	sand.u32 $0x4000, s31;
	s1 =	sadd.s32 s1, s30  }
0xc9: {  	s0 =	sor.u32 s4, s0;
	s1 =	sshll.u32 s1, $0x11  }
0xca: {  	s0 =	sor.u32 s1, s0  }
0xcb: {  	s0 =	sadd.s32 $0x8F2B, s0  }
0xcc: {  	[sflag:s0] =	ssyncadd.remote.s32 $0x1  }
0xcd: {  	_ =	sfence.sel $0xFFFF  }
0xce: {  	[dreg:$0x0] =	wrdreg $0xFFFFFFFF;
	(pc) =	sbr.abs _section_cstart, $3  }
0xcf: {  	[dreg:$0x1] =	wrdreg $0xFFFFFFFF  }
0xd0: {  	_ =	task.clear_ibuf [dreg:s22], $0x2FFFF;
	_ =	strace $0x9FFFFFFF  }
0xd1: {  	(tm) =	ssettm $0x7FFFFFFF  }
tec
execute0_lowered:
.L_overlay_start_1:
0x0: {  	(tag) =	ssettag $0x1  }
0x1: {  	s0 =	rddreg [dreg:$0x0]  }
0x2: {  	s1 =	rddreg [dreg:$0x1];
	s3 =	simm.s32 $0x0  }
0x3: {  	s2 =	srdreg.scid;
	s10 =	stileid.u32;
	s11 =	simm.s32 $0x80  }
0x4: {  	s12 =	simm.s32 $0x400;
	s13 =	simm.s32 $0xB00;
	s14 =	simm.s32 $0xC00  }
0x5: {  	s15 =	simm.s32 $0xD00;
	s16 =	simm.s32 $0x1;
	s17 =	simm.s32 $0x2  }
0x6: {  	s18 =	simm.s32 $0x3;
	s19 =	simm.s32 $0xE00;
	s23 =	simm.s32 $0xCE00  }
0x7: {  	s25 =	simm.s32 $0x10E00;
	s28 =	simm.s32 $0x14E00;
	s29 =	simm.s32 $0x4  }
0x8: {  	s30 =	simm.s32 $0x5;
	s31 =	simm.s32 $0x6;
	s20 =	simm.s32 $0x0  }
0x9: {  	[smem:$0x7FF] =	sst s3;
	s2 =	sand.u32 $0x1, s2;
	s5 =	sshll.u32 s10, $0x8  }
0xa: {  	s3 =	sadd.s32 $0x6A00, s0;
	p0 =	sne.s32 s10, $0x0;
	s4 =	sshll.u32 s2, $0xC  }
0xb: {  	_ =	strace $0x8000004A;
	s2 =	ssub.s32 $0x2, s2;
	s4 =	sor.u32 s5, s4  }
0xc: {  	s10 =	sshrl.u32 @!p0 s1, $0x3;
	s26 =	sshrl.u32 s2, $0x1;
	s6 =	sadd.s32 s4, s0  }
0xd: {  	s4 =	sshll.u32 s4, $0x4;
	s2 =	ssub.s32 s2, s26;
	s26 =	simm.s32 $0xD80  }
0xe: {  	s0 =	sadd.s32 s4, s0;
	s4 =	sadd.s32 $0x2A00, s6;
	s5 =	sadd.s32 $0x2A10, s6  }
0xf: {  	s6 =	sadd.s32 $0x2A20, s6;
	s9 =	smax.u32 s2, $0x1;
	s2 =	simm.s32 $0x8  }
0x10: {  	s7 =	sadd.s32 $0x28000, s0;
	s8 =	sadd.s32 $0x28800, s0;
	s0 =	simm.s32 $0x7  }
.LBB2_1:
0x11: {  	s21 =	simm.s32 @!p0 $0x1C09  }
0x12: {  	[spmem:s10], [sflag:s21] =	dma.local @!p0 [hbm:s3], $0x1600  }
0x13: {  	s21 =	simm.s32 @!p0 $0x9  }
0x14: {  	_ =	swait.ge @!p0 [sflag:s21], $0x1600  }
0x15: {  	[sflag:s21] =	ssyncset.done @!p0 $0x0  }
0x16: {  	[sflag:s21] =	ssyncadd.s32 @!p0 $0xFFFFEA00  }
0x17: {  	[tilespmem:s13], [sflag:$0x1] =	stream.strided.gather [hbm4b:s4+s11], $0x100, s12, s11, $0x38;
	[tilespmem:$0x18E00] =	vst v63  }
0x18: {  	_ = 	snop  }
0x19: {  	[tilespmem:s14], [sflag:$0x2] =	stream.strided.gather [hbm4b:s5+s11], $0x100, s12, s11, $0x38;
	[tilespmem:$0x18E00] =	vst v63  }
0x1a: {  	_ = 	snop  }
0x1b: {  	[tilespmem:s15], [sflag:$0x3] =	stream.strided.gather [hbm4b:s6+s11], $0x100, s12, s11, $0x38;
	[tilespmem:$0x18E00] =	vst v63  }
0x1c: {  	_ =	swait.ge [sflag:s16], $0x100  }
0x1d: {  	[sflag:s16] =	ssyncset.done $0x0  }
0x1e: {  	[sflag:s16] =	ssyncadd.s32 $0xFFFFFF00  }
0x1f: {  	_ =	swait.ge [sflag:s17], $0x100  }
0x20: {  	[sflag:s17] =	ssyncset.done $0x0  }
0x21: {  	[sflag:s17] =	ssyncadd.s32 $0xFFFFFF00  }
0x22: {  	_ =	swait.ge [sflag:s18], $0x100  }
0x23: {  	[sflag:s18] =	ssyncset.done $0x0  }
0x24: {  	[sflag:s18] =	ssyncadd.s32 $0xFFFFFF00  }
0x25: {  	[bflag:$0x0] =	sbarrier.arrive $0xFFFF  }
0x26: {  	[tilespmem:s19], [sflag:$0x1] =	stream.indirect.gather [spmem:s1], $0x80, s13, s11, $0xb8;
	[tilespmem:$0x18E00] =	vst v63  }
0x27: {  	s22 =	simm.s32 $0x4E00  }
0x28: {  	[tilespmem:s22], [sflag:$0x2] =	stream.indirect.gather [spmem:s1], $0x80, s14, s11, $0xb8;
	[tilespmem:$0x18E00] =	vst v63  }
0x29: {  	s24 =	simm.s32 $0x8E00  }
0x2a: {  	[tilespmem:s24], [sflag:$0x3] =	stream.indirect.gather [spmem:s1], $0x80, s15, s11, $0xb8;
	[tilespmem:$0x18E00] =	vst v63  }
0x2b: {  	_ =	swait.ge [sflag:s16], $0x4000  }
0x2c: {  	[sflag:s16] =	ssyncset.done $0x0  }
0x2d: {  	[sflag:s16] =	ssyncadd.s32 $0xFFFFC000  }
0x2e: {  	_ =	swait.ge [sflag:s17], $0x4000  }
0x2f: {  	[sflag:s17] =	ssyncset.done $0x0  }
0x30: {  	[sflag:s17] =	ssyncadd.s32 $0xFFFFC000  }
0x31: {  	_ =	swait.ge [sflag:s18], $0x4000  }
0x32: {  	[sflag:s18] =	ssyncset.done $0x0  }
0x33: {  	s22 =	simm.s32 $0xB80;
	[sflag:s18] =	ssyncadd.s32 $0xFFFFC000  }
0x34: {  	[tilespmem:s23], [sflag:$0x4] =	stream.indirect.gather [spmem:s1], $0x80, s22, s11, $0xb8;
	[tilespmem:$0x18E00] =	vst v63  }
0x35: {  	s24 =	simm.s32 $0xC80  }
0x36: {  	[tilespmem:s25], [sflag:$0x5] =	stream.indirect.gather [spmem:s1], $0x80, s24, s11, $0xb8;
	[tilespmem:$0x18E00] =	vst v63  }
0x37: {  	s21 =	simm.s32 $0x0  }
0x38: {  	[tilespmem:s28], [sflag:$0x6] =	stream.indirect.gather [spmem:s1], $0x80, s26, s11, $0xb8;
	[tilespmem:$0x18E00] =	vst v63  }
0x39: {  	v5 =	vld [tilespmem:s21+$0x8E00]  }
0x3a: {  	v4 =	vld [tilespmem:s21+$0x8E10]  }
0x3b: {  	v3 =	vld [tilespmem:s21+$0x8E20]  }
0x3c: {  	v2 =	vld [tilespmem:s21+$0x8E30]  }
0x3d: {  	v1 =	vld [tilespmem:s21+$0x8E40]  }
0x3e: {  	v0 =	vld [tilespmem:s21+$0x8E50]  }
0x3f: {  	v12 =	vld [tilespmem:s21+$0x4E00]  }
0x40: {  	v17 =	vld [tilespmem:s21+$0x4E10]  }
0x41: {  	v11 =	vld [tilespmem:s21+$0x4E20]  }
0x42: {  	v10 =	vld [tilespmem:s21+$0x4E30]  }
0x43: {  	v9 =	vld [tilespmem:s21+$0x4E40]  }
0x44: {  	v8 =	vld [tilespmem:s21+$0x4E50]  }
0x45: {  	v7 =	vld [tilespmem:s21+$0x4E60]  }
0x46: {  	v6 =	vld [tilespmem:s21+$0x4E70]  }
0x47: {  	v18 =	vld [tilespmem:s21+$0xE00]  }
0x48: {  	v19 =	vld [tilespmem:s21+$0xE10]  }
0x49: {  	v16 =	vld [tilespmem:s21+$0xE20]  }
0x4a: {  	v15 =	vld [tilespmem:s21+$0xE30]  }
0x4b: {  	v14 =	vld [tilespmem:s21+$0xE40]  }
0x4c: {  	v13 =	vld [tilespmem:s21+$0xE50];
	v18 =	vadd.f32 v12, v18  }
0x4d: {  	s22 =	simm.s32 $0x200;
	v17 =	vadd.f32 v17, v19;
	v12 =	vld [tilespmem:s21+$0xE60]  }
.LBB2_2:
0x4e: {  	p1 =	sne.s32 s22, $0xFE00;
	v5 =	vadd.f32 v5, v18;
	v11 =	vadd.f32 v11, v16;
	v16 =	vld [tilespmem:s21+$0xE70]  }
0x4f: {  	v4 =	vadd.f32 v4, v17;
	v10 =	vadd.f32 v10, v15;
	v15 =	vld [tilespmem:s21+$0x8E60]  }
0x50: {  	s24 =	sshra.s32 s22, $0x2;
	[tilespmem:s21+$0xE00] =	vst v5;
	v3 =	vadd.f32 v3, v11;
	v9 =	vadd.f32 v9, v14;
	v11 =	vld [tilespmem:s21+$0x8E70]  }
0x51: {  	v5 =	vld [tilespmem:s24+$0x8E00];
	[tilespmem:s21+$0xE10] =	vst v4;
	v2 =	vadd.f32 v2, v10;
	v8 =	vadd.f32 v8, v13  }
0x52: {  	v4 =	vld [tilespmem:s24+$0x8E10];
	[tilespmem:s21+$0xE20] =	vst v3;
	v1 =	vadd.f32 v1, v9;
	v7 =	vadd.f32 v7, v12  }
0x53: {  	v3 =	vld [tilespmem:s24+$0x8E20];
	[tilespmem:s21+$0xE30] =	vst v2;
	v0 =	vadd.f32 v0, v8;
	v6 =	vadd.f32 v6, v16  }
0x54: {  	v2 =	vld [tilespmem:s24+$0x8E30];
	[tilespmem:s21+$0xE40] =	vst v1;
	v7 =	vadd.f32 v15, v7  }
0x55: {  	v1 =	vld [tilespmem:s24+$0x8E40];
	[tilespmem:s21+$0xE50] =	vst v0;
	v6 =	vadd.f32 v11, v6  }
0x56: {  	v0 =	vld [tilespmem:s24+$0x8E50];
	[tilespmem:s21+$0xE60] =	vst v7  }
0x57: {  	v12 =	vld [tilespmem:s24+$0x4E00];
	[tilespmem:s21+$0xE70] =	vst v6;
	s21 =	smov.u32 s24  }
0x58: {  	v17 =	vld [tilespmem:s21+$0x4E10]  }
0x59: {  	v11 =	vld [tilespmem:s21+$0x4E20]  }
0x5a: {  	v10 =	vld [tilespmem:s21+$0x4E30]  }
0x5b: {  	v9 =	vld [tilespmem:s21+$0x4E40]  }
0x5c: {  	v8 =	vld [tilespmem:s21+$0x4E50]  }
0x5d: {  	v7 =	vld [tilespmem:s21+$0x4E60]  }
0x5e: {  	v6 =	vld [tilespmem:s21+$0x4E70]  }
0x5f: {  	v13 =	vld [tilespmem:s21+$0xE00]  }
0x60: {  	v19 =	vld [tilespmem:s21+$0xE10]  }
.Ltmp0:
0x61: {  	v16 =	vld [tilespmem:s21+$0xE20];
	(pc) =	sbr.rel @p1 .LBB2_2-.Ltmp0, $4  }
0x62: {  	v15 =	vld [tilespmem:s21+$0xE30]  }
0x63: {  	v14 =	vld [tilespmem:s21+$0xE40]  }
0x64: {  	v18 =	vadd.f32 v12, v13;
	v13 =	vld [tilespmem:s21+$0xE50]  }
0x65: {  	s22 =	sadd.s32 $0x200, s22;
	v17 =	vadd.f32 v17, v19;
	v12 =	vld [tilespmem:s21+$0xE60]  }
0x66: {  	v5 =	vadd.f32 v5, v18;
	v18 =	vld [tilespmem:s21+$0xE70];
	v11 =	vadd.f32 v11, v16  }
0x67: {  	v16 =	vld [tilespmem:s21+$0x8E60];
	v4 =	vadd.f32 v4, v17;
	v10 =	vadd.f32 v10, v15  }
0x68: {  	[tilespmem:s21+$0xE00] =	vst v5;
	v3 =	vadd.f32 v3, v11;
	v5 =	vadd.f32 v9, v14;
	v9 =	vld [tilespmem:s21+$0x8E70]  }
0x69: {  	[tilespmem:s21+$0xE10] =	vst v4;
	v2 =	vadd.f32 v2, v10;
	v4 =	vadd.f32 v8, v13  }
0x6a: {  	[tilespmem:s21+$0xE20] =	vst v3;
	v1 =	vadd.f32 v1, v5;
	v3 =	vadd.f32 v7, v12  }
0x6b: {  	[tilespmem:s21+$0xE30] =	vst v2;
	v0 =	vadd.f32 v0, v4;
	v2 =	vadd.f32 v6, v18  }
0x6c: {  	[tilespmem:s21+$0xE40] =	vst v1;
	v1 =	vadd.f32 v16, v3  }
0x6d: {  	[tilespmem:s21+$0xE50] =	vst v0;
	v0 =	vadd.f32 v9, v2  }
0x6e: {  	[tilespmem:s21+$0xE60] =	vst v1  }
0x6f: {  	s24 =	simm.s32 $0x0;
	[tilespmem:s21+$0xE70] =	vst v0  }
0x70: {  	[hbm4b:s7+s24] =	stream.linear.scatter [tilespmem:s19], [sflag:$0x7], $0x4000, $0x38;
	[tilespmem:$0x18E00] =	vst v63  }
0x71: {  	_ =	swait.ge [sflag:s29], $0x4000  }
0x72: {  	[sflag:s29] =	ssyncset.done $0x0  }
0x73: {  	[sflag:s29] =	ssyncadd.s32 $0xFFFFC000  }
0x74: {  	_ =	swait.ge [sflag:s30], $0x4000  }
0x75: {  	[sflag:s30] =	ssyncset.done $0x0  }
0x76: {  	[sflag:s30] =	ssyncadd.s32 $0xFFFFC000  }
0x77: {  	_ =	swait.ge [sflag:s31], $0x4000  }
0x78: {  	[sflag:s31] =	ssyncset.done $0x0  }
0x79: {  	s21 =	simm.s32 $0x0;
	[sflag:s31] =	ssyncadd.s32 $0xFFFFC000  }
0x7a: {  	v5 =	vld [tilespmem:s21+$0x14E00]  }
0x7b: {  	v4 =	vld [tilespmem:s21+$0x14E10]  }
0x7c: {  	v3 =	vld [tilespmem:s21+$0x14E20]  }
0x7d: {  	v2 =	vld [tilespmem:s21+$0x14E30]  }
0x7e: {  	v1 =	vld [tilespmem:s21+$0x14E40]  }
0x7f: {  	v0 =	vld [tilespmem:s21+$0x14E50]  }
0x80: {  	v12 =	vld [tilespmem:s21+$0x10E00]  }
0x81: {  	v17 =	vld [tilespmem:s21+$0x10E10]  }
0x82: {  	v11 =	vld [tilespmem:s21+$0x10E20]  }
0x83: {  	v10 =	vld [tilespmem:s21+$0x10E30]  }
0x84: {  	v9 =	vld [tilespmem:s21+$0x10E40]  }
0x85: {  	v8 =	vld [tilespmem:s21+$0x10E50]  }
0x86: {  	v7 =	vld [tilespmem:s21+$0x10E60]  }
0x87: {  	v6 =	vld [tilespmem:s21+$0x10E70]  }
0x88: {  	v18 =	vld [tilespmem:s21+$0xCE00]  }
0x89: {  	v19 =	vld [tilespmem:s21+$0xCE10]  }
0x8a: {  	v16 =	vld [tilespmem:s21+$0xCE20]  }
0x8b: {  	v15 =	vld [tilespmem:s21+$0xCE30]  }
0x8c: {  	v14 =	vld [tilespmem:s21+$0xCE40]  }
0x8d: {  	v13 =	vld [tilespmem:s21+$0xCE50];
	v18 =	vadd.f32 v12, v18  }
0x8e: {  	s22 =	simm.s32 $0x200;
	v17 =	vadd.f32 v17, v19;
	v12 =	vld [tilespmem:s21+$0xCE60]  }
.LBB2_4:
0x8f: {  	p1 =	sne.s32 s22, $0xFE00;
	v5 =	vadd.f32 v5, v18;
	v11 =	vadd.f32 v11, v16;
	v16 =	vld [tilespmem:s21+$0xCE70]  }
0x90: {  	v4 =	vadd.f32 v4, v17;
	v10 =	vadd.f32 v10, v15;
	v15 =	vld [tilespmem:s21+$0x14E60]  }
0x91: {  	s24 =	sshra.s32 s22, $0x2;
	[tilespmem:s21+$0xCE00] =	vst v5;
	v3 =	vadd.f32 v3, v11;
	v9 =	vadd.f32 v9, v14;
	v11 =	vld [tilespmem:s21+$0x14E70]  }
0x92: {  	v5 =	vld [tilespmem:s24+$0x14E00];
	[tilespmem:s21+$0xCE10] =	vst v4;
	v2 =	vadd.f32 v2, v10;
	v8 =	vadd.f32 v8, v13  }
0x93: {  	v4 =	vld [tilespmem:s24+$0x14E10];
	[tilespmem:s21+$0xCE20] =	vst v3;
	v1 =	vadd.f32 v1, v9;
	v7 =	vadd.f32 v7, v12  }
0x94: {  	v3 =	vld [tilespmem:s24+$0x14E20];
	[tilespmem:s21+$0xCE30] =	vst v2;
	v0 =	vadd.f32 v0, v8;
	v6 =	vadd.f32 v6, v16  }
0x95: {  	v2 =	vld [tilespmem:s24+$0x14E30];
	[tilespmem:s21+$0xCE40] =	vst v1;
	v7 =	vadd.f32 v15, v7  }
0x96: {  	v1 =	vld [tilespmem:s24+$0x14E40];
	[tilespmem:s21+$0xCE50] =	vst v0;
	v6 =	vadd.f32 v11, v6  }
0x97: {  	v0 =	vld [tilespmem:s24+$0x14E50];
	[tilespmem:s21+$0xCE60] =	vst v7  }
0x98: {  	v12 =	vld [tilespmem:s24+$0x10E00];
	[tilespmem:s21+$0xCE70] =	vst v6;
	s21 =	smov.u32 s24  }
0x99: {  	v17 =	vld [tilespmem:s21+$0x10E10]  }
0x9a: {  	v11 =	vld [tilespmem:s21+$0x10E20]  }
0x9b: {  	v10 =	vld [tilespmem:s21+$0x10E30]  }
0x9c: {  	v9 =	vld [tilespmem:s21+$0x10E40]  }
0x9d: {  	v8 =	vld [tilespmem:s21+$0x10E50]  }
0x9e: {  	v7 =	vld [tilespmem:s21+$0x10E60]  }
0x9f: {  	v6 =	vld [tilespmem:s21+$0x10E70]  }
0xa0: {  	v13 =	vld [tilespmem:s21+$0xCE00]  }
0xa1: {  	v19 =	vld [tilespmem:s21+$0xCE10]  }
.Ltmp1:
0xa2: {  	v16 =	vld [tilespmem:s21+$0xCE20];
	(pc) =	sbr.rel @p1 .LBB2_4-.Ltmp1, $4  }
0xa3: {  	v15 =	vld [tilespmem:s21+$0xCE30]  }
0xa4: {  	v14 =	vld [tilespmem:s21+$0xCE40]  }
0xa5: {  	v18 =	vadd.f32 v12, v13;
	v13 =	vld [tilespmem:s21+$0xCE50]  }
0xa6: {  	s22 =	sadd.s32 $0x200, s22;
	v17 =	vadd.f32 v17, v19;
	v12 =	vld [tilespmem:s21+$0xCE60]  }
0xa7: {  	v5 =	vadd.f32 v5, v18;
	v55 =	vld [tilespmem:s21+$0xCE70];
	v11 =	vadd.f32 v11, v16  }
0xa8: {  	v56 =	vld [tilespmem:s21+$0x14E60];
	v4 =	vadd.f32 v4, v17;
	v10 =	vadd.f32 v10, v15  }
0xa9: {  	v58 =	vld [tilespmem:s21+$0x14E70];
	[tilespmem:s21+$0xCE00] =	vst v5;
	v3 =	vadd.f32 v3, v11;
	v57 =	vadd.f32 v9, v14  }
0xaa: {  	[tilespmem:s21+$0xCE10] =	vst v4;
	v2 =	vadd.f32 v2, v10;
	v59 =	vadd.f32 v8, v13  }
0xab: {  	[tilespmem:s21+$0xCE20] =	vst v3;
	v1 =	vadd.f32 v1, v57;
	v60 =	vadd.f32 v7, v12  }
0xac: {  	[tilespmem:s21+$0xCE30] =	vst v2;
	v0 =	vadd.f32 v0, v59;
	v61 =	vadd.f32 v6, v55  }
0xad: {  	[tilespmem:s21+$0xCE40] =	vst v1;
	v62 =	vadd.f32 v56, v60  }
0xae: {  	[tilespmem:s21+$0xCE50] =	vst v0;
	v63 =	vadd.f32 v58, v61  }
0xaf: {  	[tilespmem:s21+$0xCE60] =	vst v62  }
0xb0: {  	s24 =	simm.s32 $0x0;
	s20 =	sadd.s32 $0x1, s20;
	[tilespmem:s21+$0xCE70] =	vst v63  }
0xb1: {  	[hbm4b:s8+s24] =	stream.linear.scatter [tilespmem:s23], [sflag:$0x8], $0x4000, $0x38;
	[tilespmem:$0x18E00] =	vst v63  }
0xb2: {  	p1 =	sne.s32 s20, s9;
	_ =	swait.ge [sflag:s0], $0x4000  }
.Ltmp2:
0xb3: {  	[sflag:s0] =	ssyncset.done $0x0;
	(pc) =	sbr.rel @p1 .LBB2_1-.Ltmp2, $4  }
0xb4: {  	[sflag:s0] =	ssyncadd.s32 $0xFFFFC000  }
0xb5: {  	_ =	swait.ge [sflag:s2], $0x4000  }
0xb6: {  	[sflag:s2] =	ssyncset.done $0x0  }
0xb7: {  	[sflag:s2] =	ssyncadd.s32 $0xFFFFC000  }
0xb8: {  	_ =	sfence.sel $0x180000  }
0xb9: {  	[bflag:$0x0] =	sbarrier.arrive $0xFFFF  }
0xba: {  	_ =	strace $0x9000004A  }
0xbb: {  	[bflag:$0x2] =	sbarrier.arrive $0xFFFF  }
0xbc: {  	s0 =	rddreg [dreg:$0x2]  }
0xbd: {  	s0 =	sadd.s32 @!p0 $0x100000, s0  }
0xbe: {  	[sflag:s0] =	ssyncadd.tile.s32 @!p0 $0x1;
	_ =	shalt  }
.Lfunc_end2:
_tile_overlayer_lowered:
.L_overlay_start_2:
0xbf: {  	(tag) =	ssettag $0x2  }
0xc0: {  	s0 =	rddreg [dreg:$0x0];
	s2 =	stileid.u32  }
0xc1: {  	s1 =	rddreg [dreg:$0x1];
	p0 =	sne.s32 s2, $0x0  }
0xc2: {  	s3 =	rddreg [dreg:$0x2];
	[bflag:$0x3] =	sbarrier.arrive $0xFFFF;
	s2 =	simm.s32 @!p0 $0x1C09  }
0xc3: {  	[timem:s3], [sflag:s2] =	dma.local @!p0 [hbm:s0], s1  }
0xc4: {  	s0 =	simm.s32 @!p0 $0x9  }
0xc5: {  	_ =	swait.ge @!p0 [sflag:s0], s1  }
0xc6: {  	s1 =	ssub.s32 @!p0 $0x0, s1;
	[sflag:s0] =	ssyncset.done @!p0 $0x0  }
0xc7: {  	[sflag:s0] =	ssyncadd.s32 @!p0 s1  }
0xc8: {  	[bflag:$0x3] =	sbarrier.arrive $0xFFFF  }
0xc9: {  	_ =	shalt  }

</sc_bundles>
